<compile_context>
chip_gen: v7x
topology: tpu7x:2x2x1
jax: 0.10.2.dev20260603
libtpu: 0.0.44.dev20260713+nightly
codegen_flags: <defaults>
</compile_context>

<pallas_src>
import jax
import jax.numpy as jnp
from jax import lax
from jax.experimental import pallas as pl
from jax.experimental.pallas import tpu as pltpu
from jax.experimental.pallas import tpu_sc as plsc

V = 2
N = 10000
D = 128
E = 320000
OUT = 128
HID = 2 * OUT

NP = 10240
NT = 16
IR = 128
RPT_IDX = 160
EPT = RPT_IDX * IR
EP = EPT * NT
RPV = EP // IR
NODES_PT = NP // NT

_f32 = jnp.float32


def _sc_mesh():
    return plsc.VectorSubcoreMesh(core_axis_name="c", subcore_axis_name="s")


def _deg_body(dst2d, onestab, out, idxd, ones_v, acc):
    c = lax.axis_index("c")
    s = lax.axis_index("s")
    base = c * RPV + s * RPT_IDX
    pltpu.sync_copy(onestab.at[pl.ds(s * NODES_PT, NODES_PT)],
                    acc.at[pl.ds(s * NODES_PT, NODES_PT)])
    pltpu.sync_copy(onestab.at[pl.ds(0, IR)], ones_v)
    plsc.subcore_barrier()

    def group(g, carry):
        pltpu.sync_copy(dst2d.at[pl.ds(base + g * IG_ROWS, IG_ROWS)], idxd)

        def step(r, carry2):
            pltpu.sync_copy(ones_v, acc.at[idxd.at[r]], add=True)
            return carry2

        lax.fori_loop(0, IG_ROWS, step, 0)
        return carry

    lax.fori_loop(0, IGROUPS, group, 0)
    plsc.subcore_barrier()
    pltpu.sync_copy(acc.at[pl.ds(s * NODES_PT, NODES_PT)],
                    out.at[pl.ds(c * NP + s * NODES_PT, NODES_PT)])


def _make_deg_kernel():
    return pl.kernel(
        _deg_body,
        out_type=jax.ShapeDtypeStruct((V * NP, D), _f32),
        mesh=_sc_mesh(),
        scratch_types=[
            pltpu.VMEM((IG_ROWS, IR), jnp.int32),
            pltpu.VMEM((IR, D), _f32),
            pltpu.VMEM_SHARED((NP, D), _f32),
        ],
    )


IG_ROWS = 32
IGROUPS = RPT_IDX // IG_ROWS


IGR = 16


def _spmm_body(tab, src2d, dst2d, out, idxs, idxd, rows, semg, semi, acc):
    c = lax.axis_index("c")
    s = lax.axis_index("s")
    base = c * RPV + s * RPT_IDX
    pltpu.sync_copy(tab.at[pl.ds(c * NP + s * NODES_PT, NODES_PT)],
                    acc.at[pl.ds(s * NODES_PT, NODES_PT)])
    pltpu.sync_copy(src2d.at[pl.ds(base, IGR)], idxs.at[0])
    pltpu.sync_copy(dst2d.at[pl.ds(base, IGR)], idxd.at[0])
    plsc.subcore_barrier()

    pltpu.async_copy(tab.at[idxs.at[0, 0]], rows.at[0], semg.at[0])
    pltpu.async_copy(tab.at[idxs.at[0, 1]], rows.at[1], semg.at[1])

    def step(r, carry):
        b = lax.rem(r, 2)
        g = lax.div(r, IGR)
        slot = lax.rem(g, 2)
        rr = lax.rem(r, IGR)

        @pl.when(jnp.logical_and(rr == 0, r + IGR < RPT_IDX))
        def _():
            nslot = lax.rem(g + 1, 2)
            off = base + (g + 1) * IGR
            pltpu.async_copy(src2d.at[pl.ds(off, IGR)], idxs.at[nslot], semi)
            pltpu.async_copy(dst2d.at[pl.ds(off, IGR)], idxd.at[nslot], semi)

        pltpu.make_async_copy(tab.at[pl.ds(0, IR)], rows.at[b],
                              semg.at[b]).wait()
        pltpu.sync_copy(rows.at[b], acc.at[idxd.at[slot, rr]], add=True)

        @pl.when(r + 2 < RPT_IDX)
        def _():
            r2 = r + 2
            slot2 = lax.rem(lax.div(r2, IGR), 2)
            rr2 = lax.rem(r2, IGR)

            @pl.when(rr == IGR - 2)
            def _():
                pltpu.make_async_copy(src2d.at[pl.ds(base, IGR)],
                                      idxs.at[slot2], semi).wait()
                pltpu.make_async_copy(dst2d.at[pl.ds(base, IGR)],
                                      idxd.at[slot2], semi).wait()

            pltpu.async_copy(tab.at[idxs.at[slot2, rr2]], rows.at[b],
                             semg.at[b])

        return carry

    lax.fori_loop(0, RPT_IDX, step, 0)
    plsc.subcore_barrier()
    pltpu.sync_copy(acc.at[pl.ds(s * NODES_PT, NODES_PT)],
                    out.at[pl.ds(c * NP + s * NODES_PT, NODES_PT)])


def _make_spmm_kernel():
    return pl.kernel(
        _spmm_body,
        out_type=jax.ShapeDtypeStruct((V * NP, D), _f32),
        mesh=_sc_mesh(),
        scratch_types=[
            pltpu.VMEM((2, IGR, IR), jnp.int32),
            pltpu.VMEM((2, IGR, IR), jnp.int32),
            pltpu.VMEM((2, IR, D), _f32),
            pltpu.SemaphoreType.DMA((2,)),
            pltpu.SemaphoreType.DMA,
            pltpu.VMEM_SHARED((NP, D), _f32),
        ],
    )


_BN = 2048
_NB = NP // _BN


def _prep_body(degp, x, xs):
    dinv = lax.rsqrt(degp[0][:, 0:1])
    xs[0] = x[0] * dinv


def _prep(deg_part, features_pad):
    return pl.pallas_call(
        _prep_body,
        grid=(V, _NB),
        in_specs=[
            pl.BlockSpec((1, _BN, D), lambda v, i: (v, i, 0)),
            pl.BlockSpec((1, _BN, D), lambda v, i: (v, i, 0)),
        ],
        out_specs=pl.BlockSpec((1, _BN, D), lambda v, i: (v, i, 0)),
        out_shape=jax.ShapeDtypeStruct((V, NP, D), _f32),
    )(deg_part, features_pad)


def _mid_body(t1, degp, w1, b1, w2, zs):
    v = pl.program_id(0)
    dinv = lax.rsqrt(degp[0][:, 0:1])
    y = t1[0] * dinv
    bias = b1[pl.ds(v, 1), :]
    h = jnp.dot(y, w1[0], preferred_element_type=_f32) + bias
    h = jnp.maximum(h, 0.0)
    z = jnp.dot(h, w2[0], preferred_element_type=_f32)
    zs[0] = z * dinv


def _mid(t1, deg_part, W1, b1, W2):
    return pl.pallas_call(
        _mid_body,
        grid=(V, _NB),
        in_specs=[
            pl.BlockSpec((1, _BN, D), lambda v, i: (v, i, 0)),
            pl.BlockSpec((1, _BN, D), lambda v, i: (v, i, 0)),
            pl.BlockSpec((1, D, HID), lambda v, i: (v, 0, 0)),
            pl.BlockSpec((V, HID), lambda v, i: (0, 0)),
            pl.BlockSpec((1, HID, OUT), lambda v, i: (v, 0, 0)),
        ],
        out_specs=pl.BlockSpec((1, _BN, D), lambda v, i: (v, i, 0)),
        out_shape=jax.ShapeDtypeStruct((V, NP, D), _f32),
    )(t1, deg_part, W1, b1, W2)


def _gate_body(x, wg1r, bg1, wg2, bg2, g2):
    gf = jnp.sum(x[...], axis=1) * (1.0 / N)
    hp = (jnp.dot(gf[0:1, :], wg1r[0], preferred_element_type=_f32)
          + jnp.dot(gf[1:2, :], wg1r[1], preferred_element_type=_f32))
    h = jnp.maximum(hp + bg1[...][None, :], 0.0)
    logits = jnp.dot(h, wg2[...], preferred_element_type=_f32) + bg2[...][None, :]
    e = jnp.exp(logits - jnp.max(logits))
    g2[...] = e / jnp.sum(e)


def _gate(features, Wg1r, bg1, Wg2, bg2):
    return pl.pallas_call(
        _gate_body,
        out_shape=jax.ShapeDtypeStruct((1, V), _f32),
    )(features, Wg1r, bg1, Wg2, bg2)


def _comb_body(t2, degp, g2, b2, out):
    o0 = t2[0] * lax.rsqrt(degp[0][:, 0:1]) + b2[0][None, :]
    o1 = t2[1] * lax.rsqrt(degp[1][:, 0:1]) + b2[1][None, :]
    out[...] = g2[0:1, 0:1] * o0 + g2[0:1, 1:2] * o1


def _comb(t2, deg_part, g2, b2):
    return pl.pallas_call(
        _comb_body,
        grid=(_NB,),
        in_specs=[
            pl.BlockSpec((V, _BN, D), lambda i: (0, i, 0)),
            pl.BlockSpec((V, _BN, D), lambda i: (0, i, 0)),
            pl.BlockSpec((1, V), lambda i: (0, 0)),
            pl.BlockSpec((V, OUT), lambda i: (0, 0)),
        ],
        out_specs=pl.BlockSpec((_BN, D), lambda i: (i, 0)),
        out_shape=jax.ShapeDtypeStruct((NP, D), _f32),
    )(t2, deg_part, g2, b2)


def kernel(features_list, edge_indices, W1, b1, W2, b2, Wg1, bg1, Wg2, bg2):
    i32 = jnp.int32
    src = edge_indices[:, 0, :]
    dst = edge_indices[:, 1, :]
    voff = jnp.array([[0], [NP]], dtype=i32)
    srcp = jnp.concatenate(
        [src + voff, jnp.full((V, EP - E), N, dtype=i32) + voff], axis=1
    ).reshape(V * RPV, IR)
    dstp = jnp.concatenate(
        [dst, jnp.full((V, EP - E), N, dtype=i32)], axis=1
    ).reshape(V * RPV, IR)

    onestab = jnp.concatenate(
        [jnp.ones((N, D), _f32), jnp.zeros((NP - N, D), _f32)], axis=0)
    features_pad = jnp.pad(features_list, ((0, 0), (0, NP - N), (0, 0)))

    deg_part = _make_deg_kernel()(dstp, onestab)
    deg_part = deg_part.reshape(V, NP, D)

    xs = _prep(deg_part, features_pad)

    t1 = _make_spmm_kernel()(xs.reshape(V * NP, D), srcp, dstp)
    t1 = t1.reshape(V, NP, D)

    zs = _mid(t1, deg_part, W1, b1, W2)

    t2 = _make_spmm_kernel()(zs.reshape(V * NP, D), srcp, dstp)
    t2 = t2.reshape(V, NP, D)

    g2 = _gate(features_list, Wg1.reshape(V, D, 128), bg1, Wg2, bg2)
    unified = _comb(t2, deg_part, g2, b2)
    return unified[:N], g2.reshape(V)

# --- scband reference (transcript-rebuilt; emitter-appended) ---
"""Pipeline reference for scband-mo-e-mvg-24696061952304 (READ-ONLY COPY).

The authoritative reference and input builder live on the scoring server;
editing this copy changes nothing except your own understanding.
"""

import jax, jax.numpy as jnp
import numpy as np

V = 2
N = 10000
D = 128
E = 320000
OUT = 128
HID = 2 * OUT  # 256
GSUM = V * D   # 256 (sum of in_dims)


def setup_inputs(seed: int = 0) -> dict:
    key = jax.random.key(seed)
    ks = jax.random.split(key, 12)
    features_list = jax.random.normal(ks[0], (V, N, D), dtype=jnp.float32)
    # stacked edge_index per view; int32 used in jax (torch side uses int64)
    edge_indices = jax.random.randint(ks[1], (V, 2, E), 0, N, dtype=jnp.int32)
    s = 0.05
    # per-expert GCN params, stacked along view dim
    W1 = jax.random.normal(ks[2], (V, D, HID), dtype=jnp.float32) * s
    b1 = jnp.zeros((V, HID), dtype=jnp.float32)
    W2 = jax.random.normal(ks[3], (V, HID, OUT), dtype=jnp.float32) * s
    b2 = jnp.zeros((V, OUT), dtype=jnp.float32)
    # gating network params
    Wg1 = jax.random.normal(ks[4], (GSUM, 128), dtype=jnp.float32) * s
    bg1 = jnp.zeros((128,), dtype=jnp.float32)
    Wg2 = jax.random.normal(ks[5], (128, V), dtype=jnp.float32) * s
    bg2 = jnp.zeros((V,), dtype=jnp.float32)
    return {"features_list": features_list, "edge_indices": edge_indices,
            "W1": W1, "b1": b1, "W2": W2, "b2": b2,
            "Wg1": Wg1, "bg1": bg1, "Wg2": Wg2, "bg2": bg2}


def gcn_conv(x, edge_index, W, b):
    # PyG-style GCNConv: add self-loops, linear, sym-normalized scatter-add, bias
    n = x.shape[0]
    loop = jnp.arange(n, dtype=edge_index.dtype)
    src = jnp.concatenate([edge_index[0], loop])
    dst = jnp.concatenate([edge_index[1], loop])
    deg = jnp.zeros((n,), dtype=x.dtype).at[dst].add(1.0)
    dinv = jnp.where(deg > 0, 1.0 / jnp.sqrt(deg), 0.0)
    norm = dinv[src] * dinv[dst]
    h = x @ W
    msg = h[src] * norm[:, None]
    out = jnp.zeros((n, W.shape[1]), dtype=x.dtype).at[dst].add(msg)
    return out + b


def expert_fwd(x, e, W1, b1, W2, b2):
    h = jax.nn.relu(gcn_conv(x, e, W1, b1))
    # dropout is identity in eval mode
    return gcn_conv(h, e, W2, b2)


def reference(features_list, edge_indices, W1, b1, W2, b2, Wg1, bg1, Wg2, bg2):
    expert_embs = [expert_fwd(features_list[v], edge_indices[v], W1[v], b1[v], W2[v], b2[v]) for v in range(V)]
    global_feature = jnp.concatenate([features_list[v].mean(axis=0) for v in range(V)])[None, :]
    gate = jax.nn.softmax(jax.nn.relu(global_feature @ Wg1 + bg1) @ Wg2 + bg2, axis=-1)
    gate_weights = gate.squeeze()
    unified_emb = sum(gate_weights[v] * expert_embs[v] for v in range(V))
    return unified_emb, gate_weights

if __name__ == "__main__":
    import jax
    _d = setup_inputs()
    print(jax.jit(kernel)(*tuple(_d.values())))

</pallas_src>

<mosaic_0001>
#map = affine_map<(d0, d1) -> (0, 0)>
module attributes {stable_mosaic.version = 14 : i64} {
  func.func @_spmm_body(%arg0: i32, %arg1: i32, %arg2: memref<20480x128xf32, #tpu.memory_space<hbm>>, %arg3: memref<5120x128xi32, #tpu.memory_space<hbm>>, %arg4: memref<5120x128xi32, #tpu.memory_space<hbm>>, %arg5: memref<20480x128xf32, #tpu.memory_space<hbm>>, %arg6: memref<2x16x128xi32, #tpu.memory_space<vmem>>, %arg7: memref<2x16x128xi32, #tpu.memory_space<vmem>>, %arg8: memref<2x128x128xf32, #tpu.memory_space<vmem>>, %arg9: memref<2x!tpu.dma_semaphore, #tpu.memory_space<semaphore_mem>>, %arg10: memref<!tpu.dma_semaphore, #tpu.memory_space<semaphore_mem>>, %arg11: memref<10240x128xf32, #tpu.memory_space<vmem_shared>>) attributes {dimension_semantics = [#tpu.dimension_semantics<core_parallel>, #tpu.dimension_semantics<subcore_parallel>], iteration_bounds = array<i64: 2, 16>, scalar_prefetch = 0 : i64, scratch_operands = 6 : i64, tpu.core_type = #tpu.core_type<sc_vector_subcore>, window_params = [{transform_indices = #map}, {transform_indices = #map}, {transform_indices = #map}, {transform_indices = #map}]} {
    %mul3A = arith.constant 2560 : i32
    %mul3A_0 = arith.muli %arg0, %mul3A : i32
    %mul3A_1 = arith.constant 160 : i32
    %mul3A_2 = arith.muli %arg1, %mul3A_1 : i32
    %add3A = arith.addi %mul3A_0, %mul3A_2 : i32
    %mul3A_3 = arith.constant 10240 : i32
    %mul3A_4 = arith.muli %arg0, %mul3A_3 : i32
    %mul3A_5 = arith.constant 640 : i32
    %mul3A_6 = arith.muli %arg1, %mul3A_5 : i32
    %add3A_7 = arith.addi %mul3A_4, %mul3A_6 : i32
    %mul3A_8 = arith.constant 640 : i32
    %mul3A_9 = arith.muli %arg1, %mul3A_8 : i32
    "tpu.region"() ({
      %run_scoped3A_55 = tpu.sem_alloc : memref<!tpu.dma_semaphore, #tpu.memory_space<semaphore_mem>>
      %dma_start3A_56 = arith.constant 0 : i32
      %dma_start3A_57 = tpu.memref_slice %arg11[%mul3A_9, %dma_start3A_56] : memref<10240x128xf32, #tpu.memory_space<vmem_shared>> -> memref<640x128xf32, #tpu.memory_space<vmem_shared>>
      %dma_start3A_58 = arith.constant 0 : i32
      %dma_start3A_59 = tpu.memref_slice %arg2[%add3A_7, %dma_start3A_58] : memref<20480x128xf32, #tpu.memory_space<hbm>> -> memref<640x128xf32, #tpu.memory_space<hbm>>
      tpu.enqueue_dma source(%dma_start3A_59 : memref<640x128xf32, #tpu.memory_space<hbm>>) target(%dma_start3A_57 : memref<640x128xf32, #tpu.memory_space<vmem_shared>>) target_semaphore(%run_scoped3A_55 : memref<!tpu.dma_semaphore, #tpu.memory_space<semaphore_mem>>)
      %dma_wait3A = arith.constant 0 : i32
      %dma_wait3A_60 = tpu.memref_slice %arg11[%mul3A_9, %dma_wait3A] : memref<10240x128xf32, #tpu.memory_space<vmem_shared>> -> memref<640x128xf32, #tpu.memory_space<vmem_shared>>
      %dma_wait3A_61 = arith.constant 0 : i32
      %dma_wait3A_62 = tpu.memref_slice %arg2[%add3A_7, %dma_wait3A_61] : memref<20480x128xf32, #tpu.memory_space<hbm>> -> memref<640x128xf32, #tpu.memory_space<hbm>>
      tpu.wait_dma2 semaphore(%run_scoped3A_55 : memref<!tpu.dma_semaphore, #tpu.memory_space<semaphore_mem>>) src(%dma_wait3A_62 : memref<640x128xf32, #tpu.memory_space<hbm>>) dst(%dma_wait3A_60 : memref<640x128xf32, #tpu.memory_space<vmem_shared>>)
      tpu.yield
    }) : () -> ()
    %run_scoped3A = arith.constant 0 : i32
    "tpu.region"() ({
      %run_scoped3A_55 = tpu.sem_alloc : memref<!tpu.dma_semaphore, #tpu.memory_space<semaphore_mem>>
      %dma_start3A_56 = arith.constant 0 : i32
      %dma_start3A_57 = arith.constant 0 : i32
      %dma_start3A_58 = tpu.memref_slice %arg6[%run_scoped3A, %dma_start3A_56, %dma_start3A_57] : memref<2x16x128xi32, #tpu.memory_space<vmem>> -> memref<1x16x128xi32, #tpu.memory_space<vmem>>
      %dma_start3A_59 = tpu.memref_squeeze %dma_start3A_58 : memref<1x16x128xi32, #tpu.memory_space<vmem>> -> memref<16x128xi32, #tpu.memory_space<vmem>>
      %dma_start3A_60 = arith.constant 0 : i32
      %dma_start3A_61 = tpu.memref_slice %arg3[%add3A, %dma_start3A_60] : memref<5120x128xi32, #tpu.memory_space<hbm>> -> memref<16x128xi32, #tpu.memory_space<hbm>>
      %dma_start3A_62 = arith.constant 0 : i32
      %dma_start3A_63 = arith.constant 0 : i32
      %dma_start3A_64 = tpu.memref_slice %arg6[%run_scoped3A, %dma_start3A_62, %dma_start3A_63] : memref<2x16x128xi32, #tpu.memory_space<vmem>> -> memref<1x16x128xi32, #tpu.memory_space<vmem>>
      %dma_start3A_65 = tpu.memref_squeeze %dma_start3A_64 : memref<1x16x128xi32, #tpu.memory_space<vmem>> -> memref<16x128xi32, #tpu.memory_space<vmem>>
      %dma_start3A_66 = arith.constant 0 : i32
      %dma_start3A_67 = tpu.memref_slice %arg3[%add3A, %dma_start3A_66] : memref<5120x128xi32, #tpu.memory_space<hbm>> -> memref<16x128xi32, #tpu.memory_space<hbm>>
      tpu.enqueue_dma source(%dma_start3A_67 : memref<16x128xi32, #tpu.memory_space<hbm>>) target(%dma_start3A_65 : memref<16x128xi32, #tpu.memory_space<vmem>>) target_semaphore(%run_scoped3A_55 : memref<!tpu.dma_semaphore, #tpu.memory_space<semaphore_mem>>)
      %dma_wait3A = arith.constant 0 : i32
      %dma_wait3A_68 = arith.constant 0 : i32
      %dma_wait3A_69 = tpu.memref_slice %arg6[%run_scoped3A, %dma_wait3A, %dma_wait3A_68] : memref<2x16x128xi32, #tpu.memory_space<vmem>> -> memref<1x16x128xi32, #tpu.memory_space<vmem>>
      %dma_wait3A_70 = tpu.memref_squeeze %dma_wait3A_69 : memref<1x16x128xi32, #tpu.memory_space<vmem>> -> memref<16x128xi32, #tpu.memory_space<vmem>>
      %dma_wait3A_71 = arith.constant 0 : i32
      %dma_wait3A_72 = tpu.memref_slice %arg3[%add3A, %dma_wait3A_71] : memref<5120x128xi32, #tpu.memory_space<hbm>> -> memref<16x128xi32, #tpu.memory_space<hbm>>
      %dma_wait3A_73 = arith.constant 0 : i32
      %dma_wait3A_74 = arith.constant 0 : i32
      %dma_wait3A_75 = tpu.memref_slice %arg6[%run_scoped3A, %dma_wait3A_73, %dma_wait3A_74] : memref<2x16x128xi32, #tpu.memory_space<vmem>> -> memref<1x16x128xi32, #tpu.memory_space<vmem>>
      %dma_wait3A_76 = tpu.memref_squeeze %dma_wait3A_75 : memref<1x16x128xi32, #tpu.memory_space<vmem>> -> memref<16x128xi32, #tpu.memory_space<vmem>>
      %dma_wait3A_77 = arith.constant 0 : i32
      %dma_wait3A_78 = tpu.memref_slice %arg3[%add3A, %dma_wait3A_77] : memref<5120x128xi32, #tpu.memory_space<hbm>> -> memref<16x128xi32, #tpu.memory_space<hbm>>
      tpu.wait_dma2 semaphore(%run_scoped3A_55 : memref<!tpu.dma_semaphore, #tpu.memory_space<semaphore_mem>>) src(%dma_wait3A_78 : memref<16x128xi32, #tpu.memory_space<hbm>>) dst(%dma_wait3A_76 : memref<16x128xi32, #tpu.memory_space<vmem>>)
      tpu.yield
    }) : () -> ()
    %run_scoped3A_10 = arith.constant 0 : i32
    "tpu.region"() ({
      %run_scoped3A_55 = tpu.sem_alloc : memref<!tpu.dma_semaphore, #tpu.memory_space<semaphore_mem>>
      %dma_start3A_56 = arith.constant 0 : i32
      %dma_start3A_57 = arith.constant 0 : i32
      %dma_start3A_58 = tpu.memref_slice %arg7[%run_scoped3A_10, %dma_start3A_56, %dma_start3A_57] : memref<2x16x128xi32, #tpu.memory_space<vmem>> -> memref<1x16x128xi32, #tpu.memory_space<vmem>>
      %dma_start3A_59 = tpu.memref_squeeze %dma_start3A_58 : memref<1x16x128xi32, #tpu.memory_space<vmem>> -> memref<16x128xi32, #tpu.memory_space<vmem>>
      %dma_start3A_60 = arith.constant 0 : i32
      %dma_start3A_61 = tpu.memref_slice %arg4[%add3A, %dma_start3A_60] : memref<5120x128xi32, #tpu.memory_space<hbm>> -> memref<16x128xi32, #tpu.memory_space<hbm>>
      %dma_start3A_62 = arith.constant 0 : i32
      %dma_start3A_63 = arith.constant 0 : i32
      %dma_start3A_64 = tpu.memref_slice %arg7[%run_scoped3A_10, %dma_start3A_62, %dma_start3A_63] : memref<2x16x128xi32, #tpu.memory_space<vmem>> -> memref<1x16x128xi32, #tpu.memory_space<vmem>>
      %dma_start3A_65 = tpu.memref_squeeze %dma_start3A_64 : memref<1x16x128xi32, #tpu.memory_space<vmem>> -> memref<16x128xi32, #tpu.memory_space<vmem>>
      %dma_start3A_66 = arith.constant 0 : i32
      %dma_start3A_67 = tpu.memref_slice %arg4[%add3A, %dma_start3A_66] : memref<5120x128xi32, #tpu.memory_space<hbm>> -> memref<16x128xi32, #tpu.memory_space<hbm>>
      tpu.enqueue_dma source(%dma_start3A_67 : memref<16x128xi32, #tpu.memory_space<hbm>>) target(%dma_start3A_65 : memref<16x128xi32, #tpu.memory_space<vmem>>) target_semaphore(%run_scoped3A_55 : memref<!tpu.dma_semaphore, #tpu.memory_space<semaphore_mem>>)
      %dma_wait3A = arith.constant 0 : i32
      %dma_wait3A_68 = arith.constant 0 : i32
      %dma_wait3A_69 = tpu.memref_slice %arg7[%run_scoped3A_10, %dma_wait3A, %dma_wait3A_68] : memref<2x16x128xi32, #tpu.memory_space<vmem>> -> memref<1x16x128xi32, #tpu.memory_space<vmem>>
      %dma_wait3A_70 = tpu.memref_squeeze %dma_wait3A_69 : memref<1x16x128xi32, #tpu.memory_space<vmem>> -> memref<16x128xi32, #tpu.memory_space<vmem>>
      %dma_wait3A_71 = arith.constant 0 : i32
      %dma_wait3A_72 = tpu.memref_slice %arg4[%add3A, %dma_wait3A_71] : memref<5120x128xi32, #tpu.memory_space<hbm>> -> memref<16x128xi32, #tpu.memory_space<hbm>>
      %dma_wait3A_73 = arith.constant 0 : i32
      %dma_wait3A_74 = arith.constant 0 : i32
      %dma_wait3A_75 = tpu.memref_slice %arg7[%run_scoped3A_10, %dma_wait3A_73, %dma_wait3A_74] : memref<2x16x128xi32, #tpu.memory_space<vmem>> -> memref<1x16x128xi32, #tpu.memory_space<vmem>>
      %dma_wait3A_76 = tpu.memref_squeeze %dma_wait3A_75 : memref<1x16x128xi32, #tpu.memory_space<vmem>> -> memref<16x128xi32, #tpu.memory_space<vmem>>
      %dma_wait3A_77 = arith.constant 0 : i32
      %dma_wait3A_78 = tpu.memref_slice %arg4[%add3A, %dma_wait3A_77] : memref<5120x128xi32, #tpu.memory_space<hbm>> -> memref<16x128xi32, #tpu.memory_space<hbm>>
      tpu.wait_dma2 semaphore(%run_scoped3A_55 : memref<!tpu.dma_semaphore, #tpu.memory_space<semaphore_mem>>) src(%dma_wait3A_78 : memref<16x128xi32, #tpu.memory_space<hbm>>) dst(%dma_wait3A_76 : memref<16x128xi32, #tpu.memory_space<vmem>>)
      tpu.yield
    }) : () -> ()
    %barrier3A = arith.constant 0 : index
    tpu.barrier barrier_id(%barrier3A)
    %dma_start3A = arith.constant 0 : i32
    %dma_start3A_11 = arith.constant 0 : i32
    %dma_start3A_12 = arith.constant 0 : i32
    %dma_start3A_13 = arith.constant 0 : i32
    %dma_start3A_14 = arith.constant 0 : i32
    %dma_start3A_15 = arith.constant 0 : i32
    %dma_start3A_16 = tpu.memref_slice %arg8[%dma_start3A_12, %dma_start3A_14, %dma_start3A_15] : memref<2x128x128xf32, #tpu.memory_space<vmem>> -> memref<1x128x128xf32, #tpu.memory_space<vmem>>
    %dma_start3A_17 = tpu.memref_squeeze %dma_start3A_16 : memref<1x128x128xf32, #tpu.memory_space<vmem>> -> memref<128x128xf32, #tpu.memory_space<vmem>>
    %dma_start3A_18 = arith.constant 0 : i32
    %dma_start3A_19 = tpu.memref_slice %arg6[%dma_start3A, %dma_start3A_11, %dma_start3A_18] : memref<2x16x128xi32, #tpu.memory_space<vmem>> -> memref<1x1x128xi32, #tpu.memory_space<vmem>>
    %dma_start3A_20 = tpu.memref_squeeze %dma_start3A_19 : memref<1x1x128xi32, #tpu.memory_space<vmem>> -> memref<128xi32, #tpu.memory_space<vmem>>
    %dma_start3A_21 = arith.constant 0 : i32
    %dma_start3A_22 = arith.constant 0 : i32
    %dma_start3A_23 = tpu.memref_slice %arg2[%dma_start3A_21, %dma_start3A_22] : memref<20480x128xf32, #tpu.memory_space<hbm>> -> memref<20480x128xf32, #tpu.memory_space<hbm>>
    %dma_start3A_24 = tpu.memref_slice %arg9[%dma_start3A_13] : memref<2x!tpu.dma_semaphore, #tpu.memory_space<semaphore_mem>> -> memref<1x!tpu.dma_semaphore, #tpu.memory_space<semaphore_mem>>
    %dma_start3A_25 = tpu.memref_squeeze %dma_start3A_24 : memref<1x!tpu.dma_semaphore, #tpu.memory_space<semaphore_mem>> -> memref<!tpu.dma_semaphore, #tpu.memory_space<semaphore_mem>>
    tpu.enqueue_indirect_dma source(%dma_start3A_23 : memref<20480x128xf32, #tpu.memory_space<hbm>>) target(%dma_start3A_17 : memref<128x128xf32, #tpu.memory_space<vmem>>) offsets(%dma_start3A_20 : memref<128xi32, #tpu.memory_space<vmem>>) semaphore(%dma_start3A_25 : memref<!tpu.dma_semaphore, #tpu.memory_space<semaphore_mem>>)
    %dma_start3A_26 = arith.constant 0 : i32
    %dma_start3A_27 = arith.constant 1 : i32
    %dma_start3A_28 = arith.constant 1 : i32
    %dma_start3A_29 = arith.constant 1 : i32
    %dma_start3A_30 = arith.constant 0 : i32
    %dma_start3A_31 = arith.constant 0 : i32
    %dma_start3A_32 = tpu.memref_slice %arg8[%dma_start3A_28, %dma_start3A_30, %dma_start3A_31] : memref<2x128x128xf32, #tpu.memory_space<vmem>> -> memref<1x128x128xf32, #tpu.memory_space<vmem>>
    %dma_start3A_33 = tpu.memref_squeeze %dma_start3A_32 : memref<1x128x128xf32, #tpu.memory_space<vmem>> -> memref<128x128xf32, #tpu.memory_space<vmem>>
    %dma_start3A_34 = arith.constant 0 : i32
    %dma_start3A_35 = tpu.memref_slice %arg6[%dma_start3A_26, %dma_start3A_27, %dma_start3A_34] : memref<2x16x128xi32, #tpu.memory_space<vmem>> -> memref<1x1x128xi32, #tpu.memory_space<vmem>>
    %dma_start3A_36 = tpu.memref_squeeze %dma_start3A_35 : memref<1x1x128xi32, #tpu.memory_space<vmem>> -> memref<128xi32, #tpu.memory_space<vmem>>
    %dma_start3A_37 = arith.constant 0 : i32
    %dma_start3A_38 = arith.constant 0 : i32
    %dma_start3A_39 = tpu.memref_slice %arg2[%dma_start3A_37, %dma_start3A_38] : memref<20480x128xf32, #tpu.memory_space<hbm>> -> memref<20480x128xf32, #tpu.memory_space<hbm>>
    %dma_start3A_40 = tpu.memref_slice %arg9[%dma_start3A_29] : memref<2x!tpu.dma_semaphore, #tpu.memory_space<semaphore_mem>> -> memref<1x!tpu.dma_semaphore, #tpu.memory_space<semaphore_mem>>
    %dma_start3A_41 = tpu.memref_squeeze %dma_start3A_40 : memref<1x!tpu.dma_semaphore, #tpu.memory_space<semaphore_mem>> -> memref<!tpu.dma_semaphore, #tpu.memory_space<semaphore_mem>>
    tpu.enqueue_indirect_dma source(%dma_start3A_39 : memref<20480x128xf32, #tpu.memory_space<hbm>>) target(%dma_start3A_33 : memref<128x128xf32, #tpu.memory_space<vmem>>) offsets(%dma_start3A_36 : memref<128xi32, #tpu.memory_space<vmem>>) semaphore(%dma_start3A_41 : memref<!tpu.dma_semaphore, #tpu.memory_space<semaphore_mem>>)
    %scan3A = arith.constant 0 : i32
    %scan3A_42 = arith.constant 0 : i32
    %scan3A_43 = arith.constant 160 : i32
    %scan3A_44 = arith.addi %scan3A_42, %scan3A_43 : i32
    %scan3A_45 = arith.constant 1 : i32
    scf.for %scan3A_55 = %scan3A_42 to %scan3A_44 step %scan3A_45  : i32 {
      %rem3A = arith.constant 2 : i32
      %rem3A_56 = arith.remsi %scan3A_55, %rem3A : i32
      %div3A = arith.constant 16 : i32
      %div3A_57 = arith.divsi %scan3A_55, %div3A : i32
      %rem3A_58 = arith.constant 2 : i32
      %rem3A_59 = arith.remsi %div3A_57, %rem3A_58 : i32
      %rem3A_60 = arith.constant 16 : i32
      %rem3A_61 = arith.remsi %scan3A_55, %rem3A_60 : i32
      %eq3A = arith.constant 0 : i32
      %eq3A_62 = arith.cmpi eq, %rem3A_61, %eq3A : i32
      %add3A_63 = arith.constant 16 : i32
      %add3A_64 = arith.addi %scan3A_55, %add3A_63 : i32
      %lt3A = arith.constant 160 : i32
      %lt3A_65 = arith.cmpi slt, %add3A_64, %lt3A : i32
      %and3A = arith.andi %eq3A_62, %lt3A_65 : i1
      %convert_element_type3A = arith.extui %and3A : i1 to i32
      %cond3A = arith.constant 0 : i32
      %cond3A_66 = arith.cmpi ne, %convert_element_type3A, %cond3A : i32
      scf.if %cond3A_66 {
        %add3A_89 = arith.constant 1 : i32
        %add3A_90 = arith.addi %div3A_57, %add3A_89 : i32
        %rem3A_91 = arith.constant 2 : i32
        %rem3A_92 = arith.remsi %add3A_90, %rem3A_91 : i32
        %add3A_93 = arith.constant 1 : i32
        %add3A_94 = arith.addi %div3A_57, %add3A_93 : i32
        %mul3A_95 = arith.constant 16 : i32
        %mul3A_96 = arith.muli %add3A_94, %mul3A_95 : i32
        %add3A_97 = arith.addi %add3A, %mul3A_96 : i32
        %dma_start3A_98 = arith.constant 0 : i32
        %dma_start3A_99 = arith.constant 0 : i32
        %dma_start3A_100 = tpu.memref_slice %arg6[%rem3A_92, %dma_start3A_98, %dma_start3A_99] : memref<2x16x128xi32, #tpu.memory_space<vmem>> -> memref<1x16x128xi32, #tpu.memory_space<vmem>>
        %dma_start3A_101 = tpu.memref_squeeze %dma_start3A_100 : memref<1x16x128xi32, #tpu.memory_space<vmem>> -> memref<16x128xi32, #tpu.memory_space<vmem>>
        %dma_start3A_102 = arith.constant 0 : i32
        %dma_start3A_103 = tpu.memref_slice %arg3[%add3A_97, %dma_start3A_102] : memref<5120x128xi32, #tpu.memory_space<hbm>> -> memref<16x128xi32, #tpu.memory_space<hbm>>
        %dma_start3A_104 = arith.constant 0 : i32
        %dma_start3A_105 = arith.constant 0 : i32
        %dma_start3A_106 = tpu.memref_slice %arg6[%rem3A_92, %dma_start3A_104, %dma_start3A_105] : memref<2x16x128xi32, #tpu.memory_space<vmem>> -> memref<1x16x128xi32, #tpu.memory_space<vmem>>
        %dma_start3A_107 = tpu.memref_squeeze %dma_start3A_106 : memref<1x16x128xi32, #tpu.memory_space<vmem>> -> memref<16x128xi32, #tpu.memory_space<vmem>>
        %dma_start3A_108 = arith.constant 0 : i32
        %dma_start3A_109 = tpu.memref_slice %arg3[%add3A_97, %dma_start3A_108] : memref<5120x128xi32, #tpu.memory_space<hbm>> -> memref<16x128xi32, #tpu.memory_space<hbm>>
        tpu.enqueue_dma source(%dma_start3A_109 : memref<16x128xi32, #tpu.memory_space<hbm>>) target(%dma_start3A_107 : memref<16x128xi32, #tpu.memory_space<vmem>>) target_semaphore(%arg10 : memref<!tpu.dma_semaphore, #tpu.memory_space<semaphore_mem>>)
        %dma_start3A_110 = arith.constant 0 : i32
        %dma_start3A_111 = arith.constant 0 : i32
        %dma_start3A_112 = tpu.memref_slice %arg7[%rem3A_92, %dma_start3A_110, %dma_start3A_111] : memref<2x16x128xi32, #tpu.memory_space<vmem>> -> memref<1x16x128xi32, #tpu.memory_space<vmem>>
        %dma_start3A_113 = tpu.memref_squeeze %dma_start3A_112 : memref<1x16x128xi32, #tpu.memory_space<vmem>> -> memref<16x128xi32, #tpu.memory_space<vmem>>
        %dma_start3A_114 = arith.constant 0 : i32
        %dma_start3A_115 = tpu.memref_slice %arg4[%add3A_97, %dma_start3A_114] : memref<5120x128xi32, #tpu.memory_space<hbm>> -> memref<16x128xi32, #tpu.memory_space<hbm>>
        %dma_start3A_116 = arith.constant 0 : i32
        %dma_start3A_117 = arith.constant 0 : i32
        %dma_start3A_118 = tpu.memref_slice %arg7[%rem3A_92, %dma_start3A_116, %dma_start3A_117] : memref<2x16x128xi32, #tpu.memory_space<vmem>> -> memref<1x16x128xi32, #tpu.memory_space<vmem>>
        %dma_start3A_119 = tpu.memref_squeeze %dma_start3A_118 : memref<1x16x128xi32, #tpu.memory_space<vmem>> -> memref<16x128xi32, #tpu.memory_space<vmem>>
        %dma_start3A_120 = arith.constant 0 : i32
        %dma_start3A_121 = tpu.memref_slice %arg4[%add3A_97, %dma_start3A_120] : memref<5120x128xi32, #tpu.memory_space<hbm>> -> memref<16x128xi32, #tpu.memory_space<hbm>>
        tpu.enqueue_dma source(%dma_start3A_121 : memref<16x128xi32, #tpu.memory_space<hbm>>) target(%dma_start3A_119 : memref<16x128xi32, #tpu.memory_space<vmem>>) target_semaphore(%arg10 : memref<!tpu.dma_semaphore, #tpu.memory_space<semaphore_mem>>)
      } else {
      }
      %dma_wait3A = arith.constant 0 : i32
      %dma_wait3A_67 = arith.constant 0 : i32
      %dma_wait3A_68 = tpu.memref_slice %arg8[%rem3A_56, %dma_wait3A, %dma_wait3A_67] : memref<2x128x128xf32, #tpu.memory_space<vmem>> -> memref<1x128x128xf32, #tpu.memory_space<vmem>>
      %dma_wait3A_69 = tpu.memref_squeeze %dma_wait3A_68 : memref<1x128x128xf32, #tpu.memory_space<vmem>> -> memref<128x128xf32, #tpu.memory_space<vmem>>
      %dma_wait3A_70 = arith.constant 0 : i32
      %dma_wait3A_71 = arith.constant 0 : i32
      %dma_wait3A_72 = tpu.memref_slice %arg2[%dma_wait3A_70, %dma_wait3A_71] : memref<20480x128xf32, #tpu.memory_space<hbm>> -> memref<128x128xf32, #tpu.memory_space<hbm>>
      %dma_wait3A_73 = tpu.memref_slice %arg9[%rem3A_56] : memref<2x!tpu.dma_semaphore, #tpu.memory_space<semaphore_mem>> -> memref<1x!tpu.dma_semaphore, #tpu.memory_space<semaphore_mem>>
      %dma_wait3A_74 = tpu.memref_squeeze %dma_wait3A_73 : memref<1x!tpu.dma_semaphore, #tpu.memory_space<semaphore_mem>> -> memref<!tpu.dma_semaphore, #tpu.memory_space<semaphore_mem>>
      %dma_wait3A_75 = arith.constant 0 : i32
      %dma_wait3A_76 = arith.constant 0 : i32
      %dma_wait3A_77 = tpu.memref_slice %arg8[%rem3A_56, %dma_wait3A_75, %dma_wait3A_76] : memref<2x128x128xf32, #tpu.memory_space<vmem>> -> memref<1x128x128xf32, #tpu.memory_space<vmem>>
      %dma_wait3A_78 = tpu.memref_squeeze %dma_wait3A_77 : memref<1x128x128xf32, #tpu.memory_space<vmem>> -> memref<128x128xf32, #tpu.memory_space<vmem>>
      %dma_wait3A_79 = arith.constant 0 : i32
      %dma_wait3A_80 = arith.constant 0 : i32
      %dma_wait3A_81 = tpu.memref_slice %arg2[%dma_wait3A_79, %dma_wait3A_80] : memref<20480x128xf32, #tpu.memory_space<hbm>> -> memref<128x128xf32, #tpu.memory_space<hbm>>
      tpu.wait_dma2 semaphore(%dma_wait3A_74 : memref<!tpu.dma_semaphore, #tpu.memory_space<semaphore_mem>>) src(%dma_wait3A_81 : memref<128x128xf32, #tpu.memory_space<hbm>>) dst(%dma_wait3A_78 : memref<128x128xf32, #tpu.memory_space<vmem>>)
      "tpu.region"() ({
        %run_scoped3A_89 = tpu.sem_alloc : memref<!tpu.dma_semaphore, #tpu.memory_space<semaphore_mem>>
        %dma_start3A_90 = arith.constant 0 : i32
        %dma_start3A_91 = arith.constant 0 : i32
        %dma_start3A_92 = tpu.memref_slice %arg8[%rem3A_56, %dma_start3A_90, %dma_start3A_91] : memref<2x128x128xf32, #tpu.memory_space<vmem>> -> memref<1x128x128xf32, #tpu.memory_space<vmem>>
        %dma_start3A_93 = tpu.memref_squeeze %dma_start3A_92 : memref<1x128x128xf32, #tpu.memory_space<vmem>> -> memref<128x128xf32, #tpu.memory_space<vmem>>
        %dma_start3A_94 = arith.constant 0 : i32
        %dma_start3A_95 = tpu.memref_slice %arg7[%rem3A_59, %rem3A_61, %dma_start3A_94] : memref<2x16x128xi32, #tpu.memory_space<vmem>> -> memref<1x1x128xi32, #tpu.memory_space<vmem>>
        %dma_start3A_96 = tpu.memref_squeeze %dma_start3A_95 : memref<1x1x128xi32, #tpu.memory_space<vmem>> -> memref<128xi32, #tpu.memory_space<vmem>>
        %dma_start3A_97 = arith.constant 0 : i32
        %dma_start3A_98 = arith.constant 0 : i32
        %dma_start3A_99 = tpu.memref_slice %arg11[%dma_start3A_97, %dma_start3A_98] : memref<10240x128xf32, #tpu.memory_space<vmem_shared>> -> memref<10240x128xf32, #tpu.memory_space<vmem_shared>>
        tpu.enqueue_indirect_dma source(%dma_start3A_93 : memref<128x128xf32, #tpu.memory_space<vmem>>) target(%dma_start3A_99 : memref<10240x128xf32, #tpu.memory_space<vmem_shared>>) offsets(%dma_start3A_96 : memref<128xi32, #tpu.memory_space<vmem>>) semaphore(%run_scoped3A_89 : memref<!tpu.dma_semaphore, #tpu.memory_space<semaphore_mem>>) {add = true}
        %dma_wait3A_100 = arith.constant 0 : i32
        %dma_wait3A_101 = arith.constant 0 : i32
        %dma_wait3A_102 = tpu.memref_slice %arg8[%rem3A_56, %dma_wait3A_100, %dma_wait3A_101] : memref<2x128x128xf32, #tpu.memory_space<vmem>> -> memref<1x128x128xf32, #tpu.memory_space<vmem>>
        %dma_wait3A_103 = tpu.memref_squeeze %dma_wait3A_102 : memref<1x128x128xf32, #tpu.memory_space<vmem>> -> memref<128x128xf32, #tpu.memory_space<vmem>>
        %dma_wait3A_104 = arith.constant 0 : i32
        %dma_wait3A_105 = tpu.memref_slice %arg7[%rem3A_59, %rem3A_61, %dma_wait3A_104] : memref<2x16x128xi32, #tpu.memory_space<vmem>> -> memref<1x1x128xi32, #tpu.memory_space<vmem>>
        %dma_wait3A_106 = tpu.memref_squeeze %dma_wait3A_105 : memref<1x1x128xi32, #tpu.memory_space<vmem>> -> memref<128xi32, #tpu.memory_space<vmem>>
        %dma_wait3A_107 = arith.constant 0 : i32
        %dma_wait3A_108 = arith.constant 0 : i32
        %dma_wait3A_109 = tpu.memref_slice %arg11[%dma_wait3A_107, %dma_wait3A_108] : memref<10240x128xf32, #tpu.memory_space<vmem_shared>> -> memref<10240x128xf32, #tpu.memory_space<vmem_shared>>
        tpu.wait_indirect_dma semaphore(%run_scoped3A_89 : memref<!tpu.dma_semaphore, #tpu.memory_space<semaphore_mem>>) src(%dma_wait3A_103 : memref<128x128xf32, #tpu.memory_space<vmem>>) dst(%dma_wait3A_109 : memref<10240x128xf32, #tpu.memory_space<vmem_shared>>)
        tpu.yield
      }) : () -> ()
      %add3A_82 = arith.constant 2 : i32
      %add3A_83 = arith.addi %scan3A_55, %add3A_82 : i32
      %lt3A_84 = arith.constant 160 : i32
      %lt3A_85 = arith.cmpi slt, %add3A_83, %lt3A_84 : i32
      %convert_element_type3A_86 = arith.extui %lt3A_85 : i1 to i32
      %cond3A_87 = arith.constant 0 : i32
      %cond3A_88 = arith.cmpi ne, %convert_element_type3A_86, %cond3A_87 : i32
      scf.if %cond3A_88 {
        %add3A_89 = arith.constant 2 : i32
        %add3A_90 = arith.addi %scan3A_55, %add3A_89 : i32
        %div3A_91 = arith.constant 16 : i32
        %div3A_92 = arith.divsi %add3A_90, %div3A_91 : i32
        %rem3A_93 = arith.constant 2 : i32
        %rem3A_94 = arith.remsi %div3A_92, %rem3A_93 : i32
        %rem3A_95 = arith.constant 16 : i32
        %rem3A_96 = arith.remsi %add3A_90, %rem3A_95 : i32
        %eq3A_97 = arith.constant 14 : i32
        %eq3A_98 = arith.cmpi eq, %rem3A_61, %eq3A_97 : i32
        %convert_element_type3A_99 = arith.extui %eq3A_98 : i1 to i32
        %cond3A_100 = arith.constant 0 : i32
        %cond3A_101 = arith.cmpi ne, %convert_element_type3A_99, %cond3A_100 : i32
        scf.if %cond3A_101 {
          %dma_wait3A_114 = arith.constant 0 : i32
          %dma_wait3A_115 = arith.constant 0 : i32
          %dma_wait3A_116 = tpu.memref_slice %arg6[%rem3A_94, %dma_wait3A_114, %dma_wait3A_115] : memref<2x16x128xi32, #tpu.memory_space<vmem>> -> memref<1x16x128xi32, #tpu.memory_space<vmem>>
          %dma_wait3A_117 = tpu.memref_squeeze %dma_wait3A_116 : memref<1x16x128xi32, #tpu.memory_space<vmem>> -> memref<16x128xi32, #tpu.memory_space<vmem>>
          %dma_wait3A_118 = arith.constant 0 : i32
          %dma_wait3A_119 = tpu.memref_slice %arg3[%add3A, %dma_wait3A_118] : memref<5120x128xi32, #tpu.memory_space<hbm>> -> memref<16x128xi32, #tpu.memory_space<hbm>>
          %dma_wait3A_120 = arith.constant 0 : i32
          %dma_wait3A_121 = arith.constant 0 : i32
          %dma_wait3A_122 = tpu.memref_slice %arg6[%rem3A_94, %dma_wait3A_120, %dma_wait3A_121] : memref<2x16x128xi32, #tpu.memory_space<vmem>> -> memref<1x16x128xi32, #tpu.memory_space<vmem>>
          %dma_wait3A_123 = tpu.memref_squeeze %dma_wait3A_122 : memref<1x16x128xi32, #tpu.memory_space<vmem>> -> memref<16x128xi32, #tpu.memory_space<vmem>>
          %dma_wait3A_124 = arith.constant 0 : i32
          %dma_wait3A_125 = tpu.memref_slice %arg3[%add3A, %dma_wait3A_124] : memref<5120x128xi32, #tpu.memory_space<hbm>> -> memref<16x128xi32, #tpu.memory_space<hbm>>
          tpu.wait_dma2 semaphore(%arg10 : memref<!tpu.dma_semaphore, #tpu.memory_space<semaphore_mem>>) src(%dma_wait3A_125 : memref<16x128xi32, #tpu.memory_space<hbm>>) dst(%dma_wait3A_123 : memref<16x128xi32, #tpu.memory_space<vmem>>)
          %dma_wait3A_126 = arith.constant 0 : i32
          %dma_wait3A_127 = arith.constant 0 : i32
          %dma_wait3A_128 = tpu.memref_slice %arg7[%rem3A_94, %dma_wait3A_126, %dma_wait3A_127] : memref<2x16x128xi32, #tpu.memory_space<vmem>> -> memref<1x16x128xi32, #tpu.memory_space<vmem>>
          %dma_wait3A_129 = tpu.memref_squeeze %dma_wait3A_128 : memref<1x16x128xi32, #tpu.memory_space<vmem>> -> memref<16x128xi32, #tpu.memory_space<vmem>>
          %dma_wait3A_130 = arith.constant 0 : i32
          %dma_wait3A_131 = tpu.memref_slice %arg4[%add3A, %dma_wait3A_130] : memref<5120x128xi32, #tpu.memory_space<hbm>> -> memref<16x128xi32, #tpu.memory_space<hbm>>
          %dma_wait3A_132 = arith.constant 0 : i32
          %dma_wait3A_133 = arith.constant 0 : i32
          %dma_wait3A_134 = tpu.memref_slice %arg7[%rem3A_94, %dma_wait3A_132, %dma_wait3A_133] : memref<2x16x128xi32, #tpu.memory_space<vmem>> -> memref<1x16x128xi32, #tpu.memory_space<vmem>>
          %dma_wait3A_135 = tpu.memref_squeeze %dma_wait3A_134 : memref<1x16x128xi32, #tpu.memory_space<vmem>> -> memref<16x128xi32, #tpu.memory_space<vmem>>
          %dma_wait3A_136 = arith.constant 0 : i32
          %dma_wait3A_137 = tpu.memref_slice %arg4[%add3A, %dma_wait3A_136] : memref<5120x128xi32, #tpu.memory_space<hbm>> -> memref<16x128xi32, #tpu.memory_space<hbm>>
          tpu.wait_dma2 semaphore(%arg10 : memref<!tpu.dma_semaphore, #tpu.memory_space<semaphore_mem>>) src(%dma_wait3A_137 : memref<16x128xi32, #tpu.memory_space<hbm>>) dst(%dma_wait3A_135 : memref<16x128xi32, #tpu.memory_space<vmem>>)
        } else {
        }
        %dma_start3A_102 = arith.constant 0 : i32
        %dma_start3A_103 = arith.constant 0 : i32
        %dma_start3A_104 = tpu.memref_slice %arg8[%rem3A_56, %dma_start3A_102, %dma_start3A_103] : memref<2x128x128xf32, #tpu.memory_space<vmem>> -> memref<1x128x128xf32, #tpu.memory_space<vmem>>
        %dma_start3A_105 = tpu.memref_squeeze %dma_start3A_104 : memref<1x128x128xf32, #tpu.memory_space<vmem>> -> memref<128x128xf32, #tpu.memory_space<vmem>>
        %dma_start3A_106 = arith.constant 0 : i32
        %dma_start3A_107 = tpu.memref_slice %arg6[%rem3A_94, %rem3A_96, %dma_start3A_106] : memref<2x16x128xi32, #tpu.memory_space<vmem>> -> memref<1x1x128xi32, #tpu.memory_space<vmem>>
        %dma_start3A_108 = tpu.memref_squeeze %dma_start3A_107 : memref<1x1x128xi32, #tpu.memory_space<vmem>> -> memref<128xi32, #tpu.memory_space<vmem>>
        %dma_start3A_109 = arith.constant 0 : i32
        %dma_start3A_110 = arith.constant 0 : i32
        %dma_start3A_111 = tpu.memref_slice %arg2[%dma_start3A_109, %dma_start3A_110] : memref<20480x128xf32, #tpu.memory_space<hbm>> -> memref<20480x128xf32, #tpu.memory_space<hbm>>
        %dma_start3A_112 = tpu.memref_slice %arg9[%rem3A_56] : memref<2x!tpu.dma_semaphore, #tpu.memory_space<semaphore_mem>> -> memref<1x!tpu.dma_semaphore, #tpu.memory_space<semaphore_mem>>
        %dma_start3A_113 = tpu.memref_squeeze %dma_start3A_112 : memref<1x!tpu.dma_semaphore, #tpu.memory_space<semaphore_mem>> -> memref<!tpu.dma_semaphore, #tpu.memory_space<semaphore_mem>>
        tpu.enqueue_indirect_dma source(%dma_start3A_111 : memref<20480x128xf32, #tpu.memory_space<hbm>>) target(%dma_start3A_105 : memref<128x128xf32, #tpu.memory_space<vmem>>) offsets(%dma_start3A_108 : memref<128xi32, #tpu.memory_space<vmem>>) semaphore(%dma_start3A_113 : memref<!tpu.dma_semaphore, #tpu.memory_space<semaphore_mem>>)
      } else {
      }
    }
    %scan3A_46 = arith.constant 160 : i32
    %barrier3A_47 = arith.constant 0 : index
    tpu.barrier barrier_id(%barrier3A_47)
    %mul3A_48 = arith.constant 640 : i32
    %mul3A_49 = arith.muli %arg1, %mul3A_48 : i32
    %mul3A_50 = arith.constant 10240 : i32
    %mul3A_51 = arith.muli %arg0, %mul3A_50 : i32
    %mul3A_52 = arith.constant 640 : i32
    %mul3A_53 = arith.muli %arg1, %mul3A_52 : i32
    %add3A_54 = arith.addi %mul3A_51, %mul3A_53 : i32
    "tpu.region"() ({
      %run_scoped3A_55 = tpu.sem_alloc : memref<!tpu.dma_semaphore, #tpu.memory_space<semaphore_mem>>
      %dma_start3A_56 = arith.constant 0 : i32
      %dma_start3A_57 = tpu.memref_slice %arg5[%add3A_54, %dma_start3A_56] : memref<20480x128xf32, #tpu.memory_space<hbm>> -> memref<640x128xf32, #tpu.memory_space<hbm>>
      %dma_start3A_58 = arith.constant 0 : i32
      %dma_start3A_59 = tpu.memref_slice %arg11[%mul3A_49, %dma_start3A_58] : memref<10240x128xf32, #tpu.memory_space<vmem_shared>> -> memref<640x128xf32, #tpu.memory_space<vmem_shared>>
      tpu.enqueue_dma source(%dma_start3A_59 : memref<640x128xf32, #tpu.memory_space<vmem_shared>>) target(%dma_start3A_57 : memref<640x128xf32, #tpu.memory_space<hbm>>) target_semaphore(%run_scoped3A_55 : memref<!tpu.dma_semaphore, #tpu.memory_space<semaphore_mem>>)
      %dma_wait3A = arith.constant 0 : i32
      %dma_wait3A_60 = tpu.memref_slice %arg5[%add3A_54, %dma_wait3A] : memref<20480x128xf32, #tpu.memory_space<hbm>> -> memref<640x128xf32, #tpu.memory_space<hbm>>
      %dma_wait3A_61 = arith.constant 0 : i32
      %dma_wait3A_62 = tpu.memref_slice %arg11[%mul3A_49, %dma_wait3A_61] : memref<10240x128xf32, #tpu.memory_space<vmem_shared>> -> memref<640x128xf32, #tpu.memory_space<vmem_shared>>
      tpu.wait_dma2 semaphore(%run_scoped3A_55 : memref<!tpu.dma_semaphore, #tpu.memory_space<semaphore_mem>>) src(%dma_wait3A_62 : memref<640x128xf32, #tpu.memory_space<vmem_shared>>) dst(%dma_wait3A_60 : memref<640x128xf32, #tpu.memory_space<hbm>>)
      tpu.yield
    }) : () -> ()
    return
  }
}

#map = affine_map<(d0, d1) -> (0, 0)>
module attributes {stable_mosaic.version = 14 : i64} {
  func.func @_deg_body(%arg0: i32, %arg1: i32, %arg2: memref<5120x128xi32, #tpu.memory_space<hbm>>, %arg3: memref<10240x128xf32, #tpu.memory_space<hbm>>, %arg4: memref<20480x128xf32, #tpu.memory_space<hbm>>, %arg5: memref<32x128xi32, #tpu.memory_space<vmem>>, %arg6: memref<128x128xf32, #tpu.memory_space<vmem>>, %arg7: memref<10240x128xf32, #tpu.memory_space<vmem_shared>>) attributes {dimension_semantics = [#tpu.dimension_semantics<core_parallel>, #tpu.dimension_semantics<subcore_parallel>], iteration_bounds = array<i64: 2, 16>, scalar_prefetch = 0 : i64, scratch_operands = 3 : i64, tpu.core_type = #tpu.core_type<sc_vector_subcore>, window_params = [{transform_indices = #map}, {transform_indices = #map}, {transform_indices = #map}]} {
    %mul3A = arith.constant 2560 : i32
    %mul3A_0 = arith.muli %arg0, %mul3A : i32
    %mul3A_1 = arith.constant 160 : i32
    %mul3A_2 = arith.muli %arg1, %mul3A_1 : i32
    %add3A = arith.addi %mul3A_0, %mul3A_2 : i32
    %mul3A_3 = arith.constant 640 : i32
    %mul3A_4 = arith.muli %arg1, %mul3A_3 : i32
    %mul3A_5 = arith.constant 640 : i32
    %mul3A_6 = arith.muli %arg1, %mul3A_5 : i32
    "tpu.region"() ({
      %run_scoped3A = tpu.sem_alloc : memref<!tpu.dma_semaphore, #tpu.memory_space<semaphore_mem>>
      %dma_start3A = arith.constant 0 : i32
      %dma_start3A_20 = tpu.memref_slice %arg7[%mul3A_6, %dma_start3A] : memref<10240x128xf32, #tpu.memory_space<vmem_shared>> -> memref<640x128xf32, #tpu.memory_space<vmem_shared>>
      %dma_start3A_21 = arith.constant 0 : i32
      %dma_start3A_22 = tpu.memref_slice %arg3[%mul3A_4, %dma_start3A_21] : memref<10240x128xf32, #tpu.memory_space<hbm>> -> memref<640x128xf32, #tpu.memory_space<hbm>>
      tpu.enqueue_dma source(%dma_start3A_22 : memref<640x128xf32, #tpu.memory_space<hbm>>) target(%dma_start3A_20 : memref<640x128xf32, #tpu.memory_space<vmem_shared>>) target_semaphore(%run_scoped3A : memref<!tpu.dma_semaphore, #tpu.memory_space<semaphore_mem>>)
      %dma_wait3A = arith.constant 0 : i32
      %dma_wait3A_23 = tpu.memref_slice %arg7[%mul3A_6, %dma_wait3A] : memref<10240x128xf32, #tpu.memory_space<vmem_shared>> -> memref<640x128xf32, #tpu.memory_space<vmem_shared>>
      %dma_wait3A_24 = arith.constant 0 : i32
      %dma_wait3A_25 = tpu.memref_slice %arg3[%mul3A_4, %dma_wait3A_24] : memref<10240x128xf32, #tpu.memory_space<hbm>> -> memref<640x128xf32, #tpu.memory_space<hbm>>
      tpu.wait_dma2 semaphore(%run_scoped3A : memref<!tpu.dma_semaphore, #tpu.memory_space<semaphore_mem>>) src(%dma_wait3A_25 : memref<640x128xf32, #tpu.memory_space<hbm>>) dst(%dma_wait3A_23 : memref<640x128xf32, #tpu.memory_space<vmem_shared>>)
      tpu.yield
    }) : () -> ()
    "tpu.region"() ({
      %run_scoped3A = tpu.sem_alloc : memref<!tpu.dma_semaphore, #tpu.memory_space<semaphore_mem>>
      %dma_start3A = arith.constant 0 : i32
      %dma_start3A_20 = arith.constant 0 : i32
      %dma_start3A_21 = tpu.memref_slice %arg3[%dma_start3A, %dma_start3A_20] : memref<10240x128xf32, #tpu.memory_space<hbm>> -> memref<128x128xf32, #tpu.memory_space<hbm>>
      %dma_start3A_22 = arith.constant 0 : i32
      %dma_start3A_23 = arith.constant 0 : i32
      %dma_start3A_24 = tpu.memref_slice %arg3[%dma_start3A_22, %dma_start3A_23] : memref<10240x128xf32, #tpu.memory_space<hbm>> -> memref<128x128xf32, #tpu.memory_space<hbm>>
      tpu.enqueue_dma source(%dma_start3A_24 : memref<128x128xf32, #tpu.memory_space<hbm>>) target(%arg6 : memref<128x128xf32, #tpu.memory_space<vmem>>) target_semaphore(%run_scoped3A : memref<!tpu.dma_semaphore, #tpu.memory_space<semaphore_mem>>)
      %dma_wait3A = arith.constant 0 : i32
      %dma_wait3A_25 = arith.constant 0 : i32
      %dma_wait3A_26 = tpu.memref_slice %arg3[%dma_wait3A, %dma_wait3A_25] : memref<10240x128xf32, #tpu.memory_space<hbm>> -> memref<128x128xf32, #tpu.memory_space<hbm>>
      %dma_wait3A_27 = arith.constant 0 : i32
      %dma_wait3A_28 = arith.constant 0 : i32
      %dma_wait3A_29 = tpu.memref_slice %arg3[%dma_wait3A_27, %dma_wait3A_28] : memref<10240x128xf32, #tpu.memory_space<hbm>> -> memref<128x128xf32, #tpu.memory_space<hbm>>
      tpu.wait_dma2 semaphore(%run_scoped3A : memref<!tpu.dma_semaphore, #tpu.memory_space<semaphore_mem>>) src(%dma_wait3A_29 : memref<128x128xf32, #tpu.memory_space<hbm>>) dst(%arg6 : memref<128x128xf32, #tpu.memory_space<vmem>>)
      tpu.yield
    }) : () -> ()
    %barrier3A = arith.constant 0 : index
    tpu.barrier barrier_id(%barrier3A)
    %scan3A = arith.constant 0 : i32
    %scan3A_7 = arith.constant 0 : i32
    %scan3A_8 = arith.constant 5 : i32
    %scan3A_9 = arith.addi %scan3A_7, %scan3A_8 : i32
    %scan3A_10 = arith.constant 1 : i32
    scf.for %scan3A_20 = %scan3A_7 to %scan3A_9 step %scan3A_10  : i32 {
      %mul3A_21 = arith.constant 32 : i32
      %mul3A_22 = arith.muli %scan3A_20, %mul3A_21 : i32
      %add3A_23 = arith.addi %add3A, %mul3A_22 : i32
      "tpu.region"() ({
        %run_scoped3A = tpu.sem_alloc : memref<!tpu.dma_semaphore, #tpu.memory_space<semaphore_mem>>
        %dma_start3A = arith.constant 0 : i32
        %dma_start3A_30 = tpu.memref_slice %arg2[%add3A_23, %dma_start3A] : memref<5120x128xi32, #tpu.memory_space<hbm>> -> memref<32x128xi32, #tpu.memory_space<hbm>>
        %dma_start3A_31 = arith.constant 0 : i32
        %dma_start3A_32 = tpu.memref_slice %arg2[%add3A_23, %dma_start3A_31] : memref<5120x128xi32, #tpu.memory_space<hbm>> -> memref<32x128xi32, #tpu.memory_space<hbm>>
        tpu.enqueue_dma source(%dma_start3A_32 : memref<32x128xi32, #tpu.memory_space<hbm>>) target(%arg5 : memref<32x128xi32, #tpu.memory_space<vmem>>) target_semaphore(%run_scoped3A : memref<!tpu.dma_semaphore, #tpu.memory_space<semaphore_mem>>)
        %dma_wait3A = arith.constant 0 : i32
        %dma_wait3A_33 = tpu.memref_slice %arg2[%add3A_23, %dma_wait3A] : memref<5120x128xi32, #tpu.memory_space<hbm>> -> memref<32x128xi32, #tpu.memory_space<hbm>>
        %dma_wait3A_34 = arith.constant 0 : i32
        %dma_wait3A_35 = tpu.memref_slice %arg2[%add3A_23, %dma_wait3A_34] : memref<5120x128xi32, #tpu.memory_space<hbm>> -> memref<32x128xi32, #tpu.memory_space<hbm>>
        tpu.wait_dma2 semaphore(%run_scoped3A : memref<!tpu.dma_semaphore, #tpu.memory_space<semaphore_mem>>) src(%dma_wait3A_35 : memref<32x128xi32, #tpu.memory_space<hbm>>) dst(%arg5 : memref<32x128xi32, #tpu.memory_space<vmem>>)
        tpu.yield
      }) : () -> ()
      %scan3A_24 = arith.constant 0 : i32
      %scan3A_25 = arith.constant 0 : i32
      %scan3A_26 = arith.constant 32 : i32
      %scan3A_27 = arith.addi %scan3A_25, %scan3A_26 : i32
      %scan3A_28 = arith.constant 1 : i32
      scf.for %scan3A_30 = %scan3A_25 to %scan3A_27 step %scan3A_28  : i32 {
        "tpu.region"() ({
          %run_scoped3A = tpu.sem_alloc : memref<!tpu.dma_semaphore, #tpu.memory_space<semaphore_mem>>
          %dma_start3A = arith.constant 0 : i32
          %dma_start3A_31 = tpu.memref_slice %arg5[%scan3A_30, %dma_start3A] : memref<32x128xi32, #tpu.memory_space<vmem>> -> memref<1x128xi32, #tpu.memory_space<vmem>>
          %dma_start3A_32 = tpu.memref_squeeze %dma_start3A_31 : memref<1x128xi32, #tpu.memory_space<vmem>> -> memref<128xi32, #tpu.memory_space<vmem>>
          %dma_start3A_33 = arith.constant 0 : i32
          %dma_start3A_34 = arith.constant 0 : i32
          %dma_start3A_35 = tpu.memref_slice %arg7[%dma_start3A_33, %dma_start3A_34] : memref<10240x128xf32, #tpu.memory_space<vmem_shared>> -> memref<10240x128xf32, #tpu.memory_space<vmem_shared>>
          tpu.enqueue_indirect_dma source(%arg6 : memref<128x128xf32, #tpu.memory_space<vmem>>) target(%dma_start3A_35 : memref<10240x128xf32, #tpu.memory_space<vmem_shared>>) offsets(%dma_start3A_32 : memref<128xi32, #tpu.memory_space<vmem>>) semaphore(%run_scoped3A : memref<!tpu.dma_semaphore, #tpu.memory_space<semaphore_mem>>) {add = true}
          %dma_wait3A = arith.constant 0 : i32
          %dma_wait3A_36 = tpu.memref_slice %arg5[%scan3A_30, %dma_wait3A] : memref<32x128xi32, #tpu.memory_space<vmem>> -> memref<1x128xi32, #tpu.memory_space<vmem>>
          %dma_wait3A_37 = tpu.memref_squeeze %dma_wait3A_36 : memref<1x128xi32, #tpu.memory_space<vmem>> -> memref<128xi32, #tpu.memory_space<vmem>>
          %dma_wait3A_38 = arith.constant 0 : i32
          %dma_wait3A_39 = arith.constant 0 : i32
          %dma_wait3A_40 = tpu.memref_slice %arg7[%dma_wait3A_38, %dma_wait3A_39] : memref<10240x128xf32, #tpu.memory_space<vmem_shared>> -> memref<10240x128xf32, #tpu.memory_space<vmem_shared>>
          tpu.wait_indirect_dma semaphore(%run_scoped3A : memref<!tpu.dma_semaphore, #tpu.memory_space<semaphore_mem>>) src(%arg6 : memref<128x128xf32, #tpu.memory_space<vmem>>) dst(%dma_wait3A_40 : memref<10240x128xf32, #tpu.memory_space<vmem_shared>>)
          tpu.yield
        }) : () -> ()
      }
      %scan3A_29 = arith.constant 32 : i32
    }
    %scan3A_11 = arith.constant 5 : i32
    %barrier3A_12 = arith.constant 0 : index
    tpu.barrier barrier_id(%barrier3A_12)
    %mul3A_13 = arith.constant 640 : i32
    %mul3A_14 = arith.muli %arg1, %mul3A_13 : i32
    %mul3A_15 = arith.constant 10240 : i32
    %mul3A_16 = arith.muli %arg0, %mul3A_15 : i32
    %mul3A_17 = arith.constant 640 : i32
    %mul3A_18 = arith.muli %arg1, %mul3A_17 : i32
    %add3A_19 = arith.addi %mul3A_16, %mul3A_18 : i32
    "tpu.region"() ({
      %run_scoped3A = tpu.sem_alloc : memref<!tpu.dma_semaphore, #tpu.memory_space<semaphore_mem>>
      %dma_start3A = arith.constant 0 : i32
      %dma_start3A_20 = tpu.memref_slice %arg4[%add3A_19, %dma_start3A] : memref<20480x128xf32, #tpu.memory_space<hbm>> -> memref<640x128xf32, #tpu.memory_space<hbm>>
      %dma_start3A_21 = arith.constant 0 : i32
      %dma_start3A_22 = tpu.memref_slice %arg7[%mul3A_14, %dma_start3A_21] : memref<10240x128xf32, #tpu.memory_space<vmem_shared>> -> memref<640x128xf32, #tpu.memory_space<vmem_shared>>
      tpu.enqueue_dma source(%dma_start3A_22 : memref<640x128xf32, #tpu.memory_space<vmem_shared>>) target(%dma_start3A_20 : memref<640x128xf32, #tpu.memory_space<hbm>>) target_semaphore(%run_scoped3A : memref<!tpu.dma_semaphore, #tpu.memory_space<semaphore_mem>>)
      %dma_wait3A = arith.constant 0 : i32
      %dma_wait3A_23 = tpu.memref_slice %arg4[%add3A_19, %dma_wait3A] : memref<20480x128xf32, #tpu.memory_space<hbm>> -> memref<640x128xf32, #tpu.memory_space<hbm>>
      %dma_wait3A_24 = arith.constant 0 : i32
      %dma_wait3A_25 = tpu.memref_slice %arg7[%mul3A_14, %dma_wait3A_24] : memref<10240x128xf32, #tpu.memory_space<vmem_shared>> -> memref<640x128xf32, #tpu.memory_space<vmem_shared>>
      tpu.wait_dma2 semaphore(%run_scoped3A : memref<!tpu.dma_semaphore, #tpu.memory_space<semaphore_mem>>) src(%dma_wait3A_25 : memref<640x128xf32, #tpu.memory_space<vmem_shared>>) dst(%dma_wait3A_23 : memref<640x128xf32, #tpu.memory_space<hbm>>)
      tpu.yield
    }) : () -> ()
    return
  }
}

#map = affine_map<(d0, d1) -> (0, 0)>
module attributes {stable_mosaic.version = 14 : i64} {
  func.func @_spmm_body(%arg0: i32, %arg1: i32, %arg2: memref<20480x128xf32, #tpu.memory_space<hbm>>, %arg3: memref<5120x128xi32, #tpu.memory_space<hbm>>, %arg4: memref<5120x128xi32, #tpu.memory_space<hbm>>, %arg5: memref<20480x128xf32, #tpu.memory_space<hbm>>, %arg6: memref<2x16x128xi32, #tpu.memory_space<vmem>>, %arg7: memref<2x16x128xi32, #tpu.memory_space<vmem>>, %arg8: memref<2x128x128xf32, #tpu.memory_space<vmem>>, %arg9: memref<2x!tpu.dma_semaphore, #tpu.memory_space<semaphore_mem>>, %arg10: memref<!tpu.dma_semaphore, #tpu.memory_space<semaphore_mem>>, %arg11: memref<10240x128xf32, #tpu.memory_space<vmem_shared>>) attributes {dimension_semantics = [#tpu.dimension_semantics<core_parallel>, #tpu.dimension_semantics<subcore_parallel>], iteration_bounds = array<i64: 2, 16>, scalar_prefetch = 0 : i64, scratch_operands = 6 : i64, tpu.core_type = #tpu.core_type<sc_vector_subcore>, window_params = [{transform_indices = #map}, {transform_indices = #map}, {transform_indices = #map}, {transform_indices = #map}]} {
    %mul3A = arith.constant 2560 : i32
    %mul3A_0 = arith.muli %arg0, %mul3A : i32
    %mul3A_1 = arith.constant 160 : i32
    %mul3A_2 = arith.muli %arg1, %mul3A_1 : i32
    %add3A = arith.addi %mul3A_0, %mul3A_2 : i32
    %mul3A_3 = arith.constant 10240 : i32
    %mul3A_4 = arith.muli %arg0, %mul3A_3 : i32
    %mul3A_5 = arith.constant 640 : i32
    %mul3A_6 = arith.muli %arg1, %mul3A_5 : i32
    %add3A_7 = arith.addi %mul3A_4, %mul3A_6 : i32
    %mul3A_8 = arith.constant 640 : i32
    %mul3A_9 = arith.muli %arg1, %mul3A_8 : i32
    "tpu.region"() ({
      %run_scoped3A_55 = tpu.sem_alloc : memref<!tpu.dma_semaphore, #tpu.memory_space<semaphore_mem>>
      %dma_start3A_56 = arith.constant 0 : i32
      %dma_start3A_57 = tpu.memref_slice %arg11[%mul3A_9, %dma_start3A_56] : memref<10240x128xf32, #tpu.memory_space<vmem_shared>> -> memref<640x128xf32, #tpu.memory_space<vmem_shared>>
      %dma_start3A_58 = arith.constant 0 : i32
      %dma_start3A_59 = tpu.memref_slice %arg2[%add3A_7, %dma_start3A_58] : memref<20480x128xf32, #tpu.memory_space<hbm>> -> memref<640x128xf32, #tpu.memory_space<hbm>>
      tpu.enqueue_dma source(%dma_start3A_59 : memref<640x128xf32, #tpu.memory_space<hbm>>) target(%dma_start3A_57 : memref<640x128xf32, #tpu.memory_space<vmem_shared>>) target_semaphore(%run_scoped3A_55 : memref<!tpu.dma_semaphore, #tpu.memory_space<semaphore_mem>>)
      %dma_wait3A = arith.constant 0 : i32
      %dma_wait3A_60 = tpu.memref_slice %arg11[%mul3A_9, %dma_wait3A] : memref<10240x128xf32, #tpu.memory_space<vmem_shared>> -> memref<640x128xf32, #tpu.memory_space<vmem_shared>>
      %dma_wait3A_61 = arith.constant 0 : i32
      %dma_wait3A_62 = tpu.memref_slice %arg2[%add3A_7, %dma_wait3A_61] : memref<20480x128xf32, #tpu.memory_space<hbm>> -> memref<640x128xf32, #tpu.memory_space<hbm>>
      tpu.wait_dma2 semaphore(%run_scoped3A_55 : memref<!tpu.dma_semaphore, #tpu.memory_space<semaphore_mem>>) src(%dma_wait3A_62 : memref<640x128xf32, #tpu.memory_space<hbm>>) dst(%dma_wait3A_60 : memref<640x128xf32, #tpu.memory_space<vmem_shared>>)
      tpu.yield
    }) : () -> ()
    %run_scoped3A = arith.constant 0 : i32
    "tpu.region"() ({
      %run_scoped3A_55 = tpu.sem_alloc : memref<!tpu.dma_semaphore, #tpu.memory_space<semaphore_mem>>
      %dma_start3A_56 = arith.constant 0 : i32
      %dma_start3A_57 = arith.constant 0 : i32
      %dma_start3A_58 = tpu.memref_slice %arg6[%run_scoped3A, %dma_start3A_56, %dma_start3A_57] : memref<2x16x128xi32, #tpu.memory_space<vmem>> -> memref<1x16x128xi32, #tpu.memory_space<vmem>>
      %dma_start3A_59 = tpu.memref_squeeze %dma_start3A_58 : memref<1x16x128xi32, #tpu.memory_space<vmem>> -> memref<16x128xi32, #tpu.memory_space<vmem>>
      %dma_start3A_60 = arith.constant 0 : i32
      %dma_start3A_61 = tpu.memref_slice %arg3[%add3A, %dma_start3A_60] : memref<5120x128xi32, #tpu.memory_space<hbm>> -> memref<16x128xi32, #tpu.memory_space<hbm>>
      %dma_start3A_62 = arith.constant 0 : i32
      %dma_start3A_63 = arith.constant 0 : i32
      %dma_start3A_64 = tpu.memref_slice %arg6[%run_scoped3A, %dma_start3A_62, %dma_start3A_63] : memref<2x16x128xi32, #tpu.memory_space<vmem>> -> memref<1x16x128xi32, #tpu.memory_space<vmem>>
      %dma_start3A_65 = tpu.memref_squeeze %dma_start3A_64 : memref<1x16x128xi32, #tpu.memory_space<vmem>> -> memref<16x128xi32, #tpu.memory_space<vmem>>
      %dma_start3A_66 = arith.constant 0 : i32
      %dma_start3A_67 = tpu.memref_slice %arg3[%add3A, %dma_start3A_66] : memref<5120x128xi32, #tpu.memory_space<hbm>> -> memref<16x128xi32, #tpu.memory_space<hbm>>
      tpu.enqueue_dma source(%dma_start3A_67 : memref<16x128xi32, #tpu.memory_space<hbm>>) target(%dma_start3A_65 : memref<16x128xi32, #tpu.memory_space<vmem>>) target_semaphore(%run_scoped3A_55 : memref<!tpu.dma_semaphore, #tpu.memory_space<semaphore_mem>>)
      %dma_wait3A = arith.constant 0 : i32
      %dma_wait3A_68 = arith.constant 0 : i32
      %dma_wait3A_69 = tpu.memref_slice %arg6[%run_scoped3A, %dma_wait3A, %dma_wait3A_68] : memref<2x16x128xi32, #tpu.memory_space<vmem>> -> memref<1x16x128xi32, #tpu.memory_space<vmem>>
      %dma_wait3A_70 = tpu.memref_squeeze %dma_wait3A_69 : memref<1x16x128xi32, #tpu.memory_space<vmem>> -> memref<16x128xi32, #tpu.memory_space<vmem>>
      %dma_wait3A_71 = arith.constant 0 : i32
      %dma_wait3A_72 = tpu.memref_slice %arg3[%add3A, %dma_wait3A_71] : memref<5120x128xi32, #tpu.memory_space<hbm>> -> memref<16x128xi32, #tpu.memory_space<hbm>>
      %dma_wait3A_73 = arith.constant 0 : i32
      %dma_wait3A_74 = arith.constant 0 : i32
      %dma_wait3A_75 = tpu.memref_slice %arg6[%run_scoped3A, %dma_wait3A_73, %dma_wait3A_74] : memref<2x16x128xi32, #tpu.memory_space<vmem>> -> memref<1x16x128xi32, #tpu.memory_space<vmem>>
      %dma_wait3A_76 = tpu.memref_squeeze %dma_wait3A_75 : memref<1x16x128xi32, #tpu.memory_space<vmem>> -> memref<16x128xi32, #tpu.memory_space<vmem>>
      %dma_wait3A_77 = arith.constant 0 : i32
      %dma_wait3A_78 = tpu.memref_slice %arg3[%add3A, %dma_wait3A_77] : memref<5120x128xi32, #tpu.memory_space<hbm>> -> memref<16x128xi32, #tpu.memory_space<hbm>>
      tpu.wait_dma2 semaphore(%run_scoped3A_55 : memref<!tpu.dma_semaphore, #tpu.memory_space<semaphore_mem>>) src(%dma_wait3A_78 : memref<16x128xi32, #tpu.memory_space<hbm>>) dst(%dma_wait3A_76 : memref<16x128xi32, #tpu.memory_space<vmem>>)
      tpu.yield
    }) : () -> ()
    %run_scoped3A_10 = arith.constant 0 : i32
    "tpu.region"() ({
      %run_scoped3A_55 = tpu.sem_alloc : memref<!tpu.dma_semaphore, #tpu.memory_space<semaphore_mem>>
      %dma_start3A_56 = arith.constant 0 : i32
      %dma_start3A_57 = arith.constant 0 : i32
      %dma_start3A_58 = tpu.memref_slice %arg7[%run_scoped3A_10, %dma_start3A_56, %dma_start3A_57] : memref<2x16x128xi32, #tpu.memory_space<vmem>> -> memref<1x16x128xi32, #tpu.memory_space<vmem>>
      %dma_start3A_59 = tpu.memref_squeeze %dma_start3A_58 : memref<1x16x128xi32, #tpu.memory_space<vmem>> -> memref<16x128xi32, #tpu.memory_space<vmem>>
      %dma_start3A_60 = arith.constant 0 : i32
      %dma_start3A_61 = tpu.memref_slice %arg4[%add3A, %dma_start3A_60] : memref<5120x128xi32, #tpu.memory_space<hbm>> -> memref<16x128xi32, #tpu.memory_space<hbm>>
      %dma_start3A_62 = arith.constant 0 : i32
      %dma_start3A_63 = arith.constant 0 : i32
      %dma_start3A_64 = tpu.memref_slice %arg7[%run_scoped3A_10, %dma_start3A_62, %dma_start3A_63] : memref<2x16x128xi32, #tpu.memory_space<vmem>> -> memref<1x16x128xi32, #tpu.memory_space<vmem>>
      %dma_start3A_65 = tpu.memref_squeeze %dma_start3A_64 : memref<1x16x128xi32, #tpu.memory_space<vmem>> -> memref<16x128xi32, #tpu.memory_space<vmem>>
      %dma_start3A_66 = arith.constant 0 : i32
      %dma_start3A_67 = tpu.memref_slice %arg4[%add3A, %dma_start3A_66] : memref<5120x128xi32, #tpu.memory_space<hbm>> -> memref<16x128xi32, #tpu.memory_space<hbm>>
      tpu.enqueue_dma source(%dma_start3A_67 : memref<16x128xi32, #tpu.memory_space<hbm>>) target(%dma_start3A_65 : memref<16x128xi32, #tpu.memory_space<vmem>>) target_semaphore(%run_scoped3A_55 : memref<!tpu.dma_semaphore, #tpu.memory_space<semaphore_mem>>)
      %dma_wait3A = arith.constant 0 : i32
      %dma_wait3A_68 = arith.constant 0 : i32
      %dma_wait3A_69 = tpu.memref_slice %arg7[%run_scoped3A_10, %dma_wait3A, %dma_wait3A_68] : memref<2x16x128xi32, #tpu.memory_space<vmem>> -> memref<1x16x128xi32, #tpu.memory_space<vmem>>
      %dma_wait3A_70 = tpu.memref_squeeze %dma_wait3A_69 : memref<1x16x128xi32, #tpu.memory_space<vmem>> -> memref<16x128xi32, #tpu.memory_space<vmem>>
      %dma_wait3A_71 = arith.constant 0 : i32
      %dma_wait3A_72 = tpu.memref_slice %arg4[%add3A, %dma_wait3A_71] : memref<5120x128xi32, #tpu.memory_space<hbm>> -> memref<16x128xi32, #tpu.memory_space<hbm>>
      %dma_wait3A_73 = arith.constant 0 : i32
      %dma_wait3A_74 = arith.constant 0 : i32
      %dma_wait3A_75 = tpu.memref_slice %arg7[%run_scoped3A_10, %dma_wait3A_73, %dma_wait3A_74] : memref<2x16x128xi32, #tpu.memory_space<vmem>> -> memref<1x16x128xi32, #tpu.memory_space<vmem>>
      %dma_wait3A_76 = tpu.memref_squeeze %dma_wait3A_75 : memref<1x16x128xi32, #tpu.memory_space<vmem>> -> memref<16x128xi32, #tpu.memory_space<vmem>>
      %dma_wait3A_77 = arith.constant 0 : i32
      %dma_wait3A_78 = tpu.memref_slice %arg4[%add3A, %dma_wait3A_77] : memref<5120x128xi32, #tpu.memory_space<hbm>> -> memref<16x128xi32, #tpu.memory_space<hbm>>
      tpu.wait_dma2 semaphore(%run_scoped3A_55 : memref<!tpu.dma_semaphore, #tpu.memory_space<semaphore_mem>>) src(%dma_wait3A_78 : memref<16x128xi32, #tpu.memory_space<hbm>>) dst(%dma_wait3A_76 : memref<16x128xi32, #tpu.memory_space<vmem>>)
      tpu.yield
    }) : () -> ()
    %barrier3A = arith.constant 0 : index
    tpu.barrier barrier_id(%barrier3A)
    %dma_start3A = arith.constant 0 : i32
    %dma_start3A_11 = arith.constant 0 : i32
    %dma_start3A_12 = arith.constant 0 : i32
    %dma_start3A_13 = arith.constant 0 : i32
    %dma_start3A_14 = arith.constant 0 : i32
    %dma_start3A_15 = arith.constant 0 : i32
    %dma_start3A_16 = tpu.memref_slice %arg8[%dma_start3A_12, %dma_start3A_14, %dma_start3A_15] : memref<2x128x128xf32, #tpu.memory_space<vmem>> -> memref<1x128x128xf32, #tpu.memory_space<vmem>>
    %dma_start3A_17 = tpu.memref_squeeze %dma_start3A_16 : memref<1x128x128xf32, #tpu.memory_space<vmem>> -> memref<128x128xf32, #tpu.memory_space<vmem>>
    %dma_start3A_18 = arith.constant 0 : i32
    %dma_start3A_19 = tpu.memref_slice %arg6[%dma_start3A, %dma_start3A_11, %dma_start3A_18] : memref<2x16x128xi32, #tpu.memory_space<vmem>> -> memref<1x1x128xi32, #tpu.memory_space<vmem>>
    %dma_start3A_20 = tpu.memref_squeeze %dma_start3A_19 : memref<1x1x128xi32, #tpu.memory_space<vmem>> -> memref<128xi32, #tpu.memory_space<vmem>>
    %dma_start3A_21 = arith.constant 0 : i32
    %dma_start3A_22 = arith.constant 0 : i32
    %dma_start3A_23 = tpu.memref_slice %arg2[%dma_start3A_21, %dma_start3A_22] : memref<20480x128xf32, #tpu.memory_space<hbm>> -> memref<20480x128xf32, #tpu.memory_space<hbm>>
    %dma_start3A_24 = tpu.memref_slice %arg9[%dma_start3A_13] : memref<2x!tpu.dma_semaphore, #tpu.memory_space<semaphore_mem>> -> memref<1x!tpu.dma_semaphore, #tpu.memory_space<semaphore_mem>>
    %dma_start3A_25 = tpu.memref_squeeze %dma_start3A_24 : memref<1x!tpu.dma_semaphore, #tpu.memory_space<semaphore_mem>> -> memref<!tpu.dma_semaphore, #tpu.memory_space<semaphore_mem>>
    tpu.enqueue_indirect_dma source(%dma_start3A_23 : memref<20480x128xf32, #tpu.memory_space<hbm>>) target(%dma_start3A_17 : memref<128x128xf32, #tpu.memory_space<vmem>>) offsets(%dma_start3A_20 : memref<128xi32, #tpu.memory_space<vmem>>) semaphore(%dma_start3A_25 : memref<!tpu.dma_semaphore, #tpu.memory_space<semaphore_mem>>)
    %dma_start3A_26 = arith.constant 0 : i32
    %dma_start3A_27 = arith.constant 1 : i32
    %dma_start3A_28 = arith.constant 1 : i32
    %dma_start3A_29 = arith.constant 1 : i32
    %dma_start3A_30 = arith.constant 0 : i32
    %dma_start3A_31 = arith.constant 0 : i32
    %dma_start3A_32 = tpu.memref_slice %arg8[%dma_start3A_28, %dma_start3A_30, %dma_start3A_31] : memref<2x128x128xf32, #tpu.memory_space<vmem>> -> memref<1x128x128xf32, #tpu.memory_space<vmem>>
    %dma_start3A_33 = tpu.memref_squeeze %dma_start3A_32 : memref<1x128x128xf32, #tpu.memory_space<vmem>> -> memref<128x128xf32, #tpu.memory_space<vmem>>
    %dma_start3A_34 = arith.constant 0 : i32
    %dma_start3A_35 = tpu.memref_slice %arg6[%dma_start3A_26, %dma_start3A_27, %dma_start3A_34] : memref<2x16x128xi32, #tpu.memory_space<vmem>> -> memref<1x1x128xi32, #tpu.memory_space<vmem>>
    %dma_start3A_36 = tpu.memref_squeeze %dma_start3A_35 : memref<1x1x128xi32, #tpu.memory_space<vmem>> -> memref<128xi32, #tpu.memory_space<vmem>>
    %dma_start3A_37 = arith.constant 0 : i32
    %dma_start3A_38 = arith.constant 0 : i32
    %dma_start3A_39 = tpu.memref_slice %arg2[%dma_start3A_37, %dma_start3A_38] : memref<20480x128xf32, #tpu.memory_space<hbm>> -> memref<20480x128xf32, #tpu.memory_space<hbm>>
    %dma_start3A_40 = tpu.memref_slice %arg9[%dma_start3A_29] : memref<2x!tpu.dma_semaphore, #tpu.memory_space<semaphore_mem>> -> memref<1x!tpu.dma_semaphore, #tpu.memory_space<semaphore_mem>>
    %dma_start3A_41 = tpu.memref_squeeze %dma_start3A_40 : memref<1x!tpu.dma_semaphore, #tpu.memory_space<semaphore_mem>> -> memref<!tpu.dma_semaphore, #tpu.memory_space<semaphore_mem>>
    tpu.enqueue_indirect_dma source(%dma_start3A_39 : memref<20480x128xf32, #tpu.memory_space<hbm>>) target(%dma_start3A_33 : memref<128x128xf32, #tpu.memory_space<vmem>>) offsets(%dma_start3A_36 : memref<128xi32, #tpu.memory_space<vmem>>) semaphore(%dma_start3A_41 : memref<!tpu.dma_semaphore, #tpu.memory_space<semaphore_mem>>)
    %scan3A = arith.constant 0 : i32
    %scan3A_42 = arith.constant 0 : i32
    %scan3A_43 = arith.constant 160 : i32
    %scan3A_44 = arith.addi %scan3A_42, %scan3A_43 : i32
    %scan3A_45 = arith.constant 1 : i32
    scf.for %scan3A_55 = %scan3A_42 to %scan3A_44 step %scan3A_45  : i32 {
      %rem3A = arith.constant 2 : i32
      %rem3A_56 = arith.remsi %scan3A_55, %rem3A : i32
      %div3A = arith.constant 16 : i32
      %div3A_57 = arith.divsi %scan3A_55, %div3A : i32
      %rem3A_58 = arith.constant 2 : i32
      %rem3A_59 = arith.remsi %div3A_57, %rem3A_58 : i32
      %rem3A_60 = arith.constant 16 : i32
      %rem3A_61 = arith.remsi %scan3A_55, %rem3A_60 : i32
      %eq3A = arith.constant 0 : i32
      %eq3A_62 = arith.cmpi eq, %rem3A_61, %eq3A : i32
      %add3A_63 = arith.constant 16 : i32
      %add3A_64 = arith.addi %scan3A_55, %add3A_63 : i32
      %lt3A = arith.constant 160 : i32
      %lt3A_65 = arith.cmpi slt, %add3A_64, %lt3A : i32
      %and3A = arith.andi %eq3A_62, %lt3A_65 : i1
      %convert_element_type3A = arith.extui %and3A : i1 to i32
      %cond3A = arith.constant 0 : i32
      %cond3A_66 = arith.cmpi ne, %convert_element_type3A, %cond3A : i32
      scf.if %cond3A_66 {
        %add3A_89 = arith.constant 1 : i32
        %add3A_90 = arith.addi %div3A_57, %add3A_89 : i32
        %rem3A_91 = arith.constant 2 : i32
        %rem3A_92 = arith.remsi %add3A_90, %rem3A_91 : i32
        %add3A_93 = arith.constant 1 : i32
        %add3A_94 = arith.addi %div3A_57, %add3A_93 : i32
        %mul3A_95 = arith.constant 16 : i32
        %mul3A_96 = arith.muli %add3A_94, %mul3A_95 : i32
        %add3A_97 = arith.addi %add3A, %mul3A_96 : i32
        %dma_start3A_98 = arith.constant 0 : i32
        %dma_start3A_99 = arith.constant 0 : i32
        %dma_start3A_100 = tpu.memref_slice %arg6[%rem3A_92, %dma_start3A_98, %dma_start3A_99] : memref<2x16x128xi32, #tpu.memory_space<vmem>> -> memref<1x16x128xi32, #tpu.memory_space<vmem>>
        %dma_start3A_101 = tpu.memref_squeeze %dma_start3A_100 : memref<1x16x128xi32, #tpu.memory_space<vmem>> -> memref<16x128xi32, #tpu.memory_space<vmem>>
        %dma_start3A_102 = arith.constant 0 : i32
        %dma_start3A_103 = tpu.memref_slice %arg3[%add3A_97, %dma_start3A_102] : memref<5120x128xi32, #tpu.memory_space<hbm>> -> memref<16x128xi32, #tpu.memory_space<hbm>>
        %dma_start3A_104 = arith.constant 0 : i32
        %dma_start3A_105 = arith.constant 0 : i32
        %dma_start3A_106 = tpu.memref_slice %arg6[%rem3A_92, %dma_start3A_104, %dma_start3A_105] : memref<2x16x128xi32, #tpu.memory_space<vmem>> -> memref<1x16x128xi32, #tpu.memory_space<vmem>>
        %dma_start3A_107 = tpu.memref_squeeze %dma_start3A_106 : memref<1x16x128xi32, #tpu.memory_space<vmem>> -> memref<16x128xi32, #tpu.memory_space<vmem>>
        %dma_start3A_108 = arith.constant 0 : i32
        %dma_start3A_109 = tpu.memref_slice %arg3[%add3A_97, %dma_start3A_108] : memref<5120x128xi32, #tpu.memory_space<hbm>> -> memref<16x128xi32, #tpu.memory_space<hbm>>
        tpu.enqueue_dma source(%dma_start3A_109 : memref<16x128xi32, #tpu.memory_space<hbm>>) target(%dma_start3A_107 : memref<16x128xi32, #tpu.memory_space<vmem>>) target_semaphore(%arg10 : memref<!tpu.dma_semaphore, #tpu.memory_space<semaphore_mem>>)
        %dma_start3A_110 = arith.constant 0 : i32
        %dma_start3A_111 = arith.constant 0 : i32
        %dma_start3A_112 = tpu.memref_slice %arg7[%rem3A_92, %dma_start3A_110, %dma_start3A_111] : memref<2x16x128xi32, #tpu.memory_space<vmem>> -> memref<1x16x128xi32, #tpu.memory_space<vmem>>
        %dma_start3A_113 = tpu.memref_squeeze %dma_start3A_112 : memref<1x16x128xi32, #tpu.memory_space<vmem>> -> memref<16x128xi32, #tpu.memory_space<vmem>>
        %dma_start3A_114 = arith.constant 0 : i32
        %dma_start3A_115 = tpu.memref_slice %arg4[%add3A_97, %dma_start3A_114] : memref<5120x128xi32, #tpu.memory_space<hbm>> -> memref<16x128xi32, #tpu.memory_space<hbm>>
        %dma_start3A_116 = arith.constant 0 : i32
        %dma_start3A_117 = arith.constant 0 : i32
        %dma_start3A_118 = tpu.memref_slice %arg7[%rem3A_92, %dma_start3A_116, %dma_start3A_117] : memref<2x16x128xi32, #tpu.memory_space<vmem>> -> memref<1x16x128xi32, #tpu.memory_space<vmem>>
        %dma_start3A_119 = tpu.memref_squeeze %dma_start3A_118 : memref<1x16x128xi32, #tpu.memory_space<vmem>> -> memref<16x128xi32, #tpu.memory_space<vmem>>
        %dma_start3A_120 = arith.constant 0 : i32
        %dma_start3A_121 = tpu.memref_slice %arg4[%add3A_97, %dma_start3A_120] : memref<5120x128xi32, #tpu.memory_space<hbm>> -> memref<16x128xi32, #tpu.memory_space<hbm>>
        tpu.enqueue_dma source(%dma_start3A_121 : memref<16x128xi32, #tpu.memory_space<hbm>>) target(%dma_start3A_119 : memref<16x128xi32, #tpu.memory_space<vmem>>) target_semaphore(%arg10 : memref<!tpu.dma_semaphore, #tpu.memory_space<semaphore_mem>>)
      } else {
      }
      %dma_wait3A = arith.constant 0 : i32
      %dma_wait3A_67 = arith.constant 0 : i32
      %dma_wait3A_68 = tpu.memref_slice %arg8[%rem3A_56, %dma_wait3A, %dma_wait3A_67] : memref<2x128x128xf32, #tpu.memory_space<vmem>> -> memref<1x128x128xf32, #tpu.memory_space<vmem>>
      %dma_wait3A_69 = tpu.memref_squeeze %dma_wait3A_68 : memref<1x128x128xf32, #tpu.memory_space<vmem>> -> memref<128x128xf32, #tpu.memory_space<vmem>>
      %dma_wait3A_70 = arith.constant 0 : i32
      %dma_wait3A_71 = arith.constant 0 : i32
      %dma_wait3A_72 = tpu.memref_slice %arg2[%dma_wait3A_70, %dma_wait3A_71] : memref<20480x128xf32, #tpu.memory_space<hbm>> -> memref<128x128xf32, #tpu.memory_space<hbm>>
      %dma_wait3A_73 = tpu.memref_slice %arg9[%rem3A_56] : memref<2x!tpu.dma_semaphore, #tpu.memory_space<semaphore_mem>> -> memref<1x!tpu.dma_semaphore, #tpu.memory_space<semaphore_mem>>
      %dma_wait3A_74 = tpu.memref_squeeze %dma_wait3A_73 : memref<1x!tpu.dma_semaphore, #tpu.memory_space<semaphore_mem>> -> memref<!tpu.dma_semaphore, #tpu.memory_space<semaphore_mem>>
      %dma_wait3A_75 = arith.constant 0 : i32
      %dma_wait3A_76 = arith.constant 0 : i32
      %dma_wait3A_77 = tpu.memref_slice %arg8[%rem3A_56, %dma_wait3A_75, %dma_wait3A_76] : memref<2x128x128xf32, #tpu.memory_space<vmem>> -> memref<1x128x128xf32, #tpu.memory_space<vmem>>
      %dma_wait3A_78 = tpu.memref_squeeze %dma_wait3A_77 : memref<1x128x128xf32, #tpu.memory_space<vmem>> -> memref<128x128xf32, #tpu.memory_space<vmem>>
      %dma_wait3A_79 = arith.constant 0 : i32
      %dma_wait3A_80 = arith.constant 0 : i32
      %dma_wait3A_81 = tpu.memref_slice %arg2[%dma_wait3A_79, %dma_wait3A_80] : memref<20480x128xf32, #tpu.memory_space<hbm>> -> memref<128x128xf32, #tpu.memory_space<hbm>>
      tpu.wait_dma2 semaphore(%dma_wait3A_74 : memref<!tpu.dma_semaphore, #tpu.memory_space<semaphore_mem>>) src(%dma_wait3A_81 : memref<128x128xf32, #tpu.memory_space<hbm>>) dst(%dma_wait3A_78 : memref<128x128xf32, #tpu.memory_space<vmem>>)
      "tpu.region"() ({
        %run_scoped3A_89 = tpu.sem_alloc : memref<!tpu.dma_semaphore, #tpu.memory_space<semaphore_mem>>
        %dma_start3A_90 = arith.constant 0 : i32
        %dma_start3A_91 = arith.constant 0 : i32
        %dma_start3A_92 = tpu.memref_slice %arg8[%rem3A_56, %dma_start3A_90, %dma_start3A_91] : memref<2x128x128xf32, #tpu.memory_space<vmem>> -> memref<1x128x128xf32, #tpu.memory_space<vmem>>
        %dma_start3A_93 = tpu.memref_squeeze %dma_start3A_92 : memref<1x128x128xf32, #tpu.memory_space<vmem>> -> memref<128x128xf32, #tpu.memory_space<vmem>>
        %dma_start3A_94 = arith.constant 0 : i32
        %dma_start3A_95 = tpu.memref_slice %arg7[%rem3A_59, %rem3A_61, %dma_start3A_94] : memref<2x16x128xi32, #tpu.memory_space<vmem>> -> memref<1x1x128xi32, #tpu.memory_space<vmem>>
        %dma_start3A_96 = tpu.memref_squeeze %dma_start3A_95 : memref<1x1x128xi32, #tpu.memory_space<vmem>> -> memref<128xi32, #tpu.memory_space<vmem>>
        %dma_start3A_97 = arith.constant 0 : i32
        %dma_start3A_98 = arith.constant 0 : i32
        %dma_start3A_99 = tpu.memref_slice %arg11[%dma_start3A_97, %dma_start3A_98] : memref<10240x128xf32, #tpu.memory_space<vmem_shared>> -> memref<10240x128xf32, #tpu.memory_space<vmem_shared>>
        tpu.enqueue_indirect_dma source(%dma_start3A_93 : memref<128x128xf32, #tpu.memory_space<vmem>>) target(%dma_start3A_99 : memref<10240x128xf32, #tpu.memory_space<vmem_shared>>) offsets(%dma_start3A_96 : memref<128xi32, #tpu.memory_space<vmem>>) semaphore(%run_scoped3A_89 : memref<!tpu.dma_semaphore, #tpu.memory_space<semaphore_mem>>) {add = true}
        %dma_wait3A_100 = arith.constant 0 : i32
        %dma_wait3A_101 = arith.constant 0 : i32
        %dma_wait3A_102 = tpu.memref_slice %arg8[%rem3A_56, %dma_wait3A_100, %dma_wait3A_101] : memref<2x128x128xf32, #tpu.memory_space<vmem>> -> memref<1x128x128xf32, #tpu.memory_space<vmem>>
        %dma_wait3A_103 = tpu.memref_squeeze %dma_wait3A_102 : memref<1x128x128xf32, #tpu.memory_space<vmem>> -> memref<128x128xf32, #tpu.memory_space<vmem>>
        %dma_wait3A_104 = arith.constant 0 : i32
        %dma_wait3A_105 = tpu.memref_slice %arg7[%rem3A_59, %rem3A_61, %dma_wait3A_104] : memref<2x16x128xi32, #tpu.memory_space<vmem>> -> memref<1x1x128xi32, #tpu.memory_space<vmem>>
        %dma_wait3A_106 = tpu.memref_squeeze %dma_wait3A_105 : memref<1x1x128xi32, #tpu.memory_space<vmem>> -> memref<128xi32, #tpu.memory_space<vmem>>
        %dma_wait3A_107 = arith.constant 0 : i32
        %dma_wait3A_108 = arith.constant 0 : i32
        %dma_wait3A_109 = tpu.memref_slice %arg11[%dma_wait3A_107, %dma_wait3A_108] : memref<10240x128xf32, #tpu.memory_space<vmem_shared>> -> memref<10240x128xf32, #tpu.memory_space<vmem_shared>>
        tpu.wait_indirect_dma semaphore(%run_scoped3A_89 : memref<!tpu.dma_semaphore, #tpu.memory_space<semaphore_mem>>) src(%dma_wait3A_103 : memref<128x128xf32, #tpu.memory_space<vmem>>) dst(%dma_wait3A_109 : memref<10240x128xf32, #tpu.memory_space<vmem_shared>>)
        tpu.yield
      }) : () -> ()
      %add3A_82 = arith.constant 2 : i32
      %add3A_83 = arith.addi %scan3A_55, %add3A_82 : i32
      %lt3A_84 = arith.constant 160 : i32
      %lt3A_85 = arith.cmpi slt, %add3A_83, %lt3A_84 : i32
      %convert_element_type3A_86 = arith.extui %lt3A_85 : i1 to i32
      %cond3A_87 = arith.constant 0 : i32
      %cond3A_88 = arith.cmpi ne, %convert_element_type3A_86, %cond3A_87 : i32
      scf.if %cond3A_88 {
        %add3A_89 = arith.constant 2 : i32
        %add3A_90 = arith.addi %scan3A_55, %add3A_89 : i32
        %div3A_91 = arith.constant 16 : i32
        %div3A_92 = arith.divsi %add3A_90, %div3A_91 : i32
        %rem3A_93 = arith.constant 2 : i32
        %rem3A_94 = arith.remsi %div3A_92, %rem3A_93 : i32
        %rem3A_95 = arith.constant 16 : i32
        %rem3A_96 = arith.remsi %add3A_90, %rem3A_95 : i32
        %eq3A_97 = arith.constant 14 : i32
        %eq3A_98 = arith.cmpi eq, %rem3A_61, %eq3A_97 : i32
        %convert_element_type3A_99 = arith.extui %eq3A_98 : i1 to i32
        %cond3A_100 = arith.constant 0 : i32
        %cond3A_101 = arith.cmpi ne, %convert_element_type3A_99, %cond3A_100 : i32
        scf.if %cond3A_101 {
          %dma_wait3A_114 = arith.constant 0 : i32
          %dma_wait3A_115 = arith.constant 0 : i32
          %dma_wait3A_116 = tpu.memref_slice %arg6[%rem3A_94, %dma_wait3A_114, %dma_wait3A_115] : memref<2x16x128xi32, #tpu.memory_space<vmem>> -> memref<1x16x128xi32, #tpu.memory_space<vmem>>
          %dma_wait3A_117 = tpu.memref_squeeze %dma_wait3A_116 : memref<1x16x128xi32, #tpu.memory_space<vmem>> -> memref<16x128xi32, #tpu.memory_space<vmem>>
          %dma_wait3A_118 = arith.constant 0 : i32
          %dma_wait3A_119 = tpu.memref_slice %arg3[%add3A, %dma_wait3A_118] : memref<5120x128xi32, #tpu.memory_space<hbm>> -> memref<16x128xi32, #tpu.memory_space<hbm>>
          %dma_wait3A_120 = arith.constant 0 : i32
          %dma_wait3A_121 = arith.constant 0 : i32
          %dma_wait3A_122 = tpu.memref_slice %arg6[%rem3A_94, %dma_wait3A_120, %dma_wait3A_121] : memref<2x16x128xi32, #tpu.memory_space<vmem>> -> memref<1x16x128xi32, #tpu.memory_space<vmem>>
          %dma_wait3A_123 = tpu.memref_squeeze %dma_wait3A_122 : memref<1x16x128xi32, #tpu.memory_space<vmem>> -> memref<16x128xi32, #tpu.memory_space<vmem>>
          %dma_wait3A_124 = arith.constant 0 : i32
          %dma_wait3A_125 = tpu.memref_slice %arg3[%add3A, %dma_wait3A_124] : memref<5120x128xi32, #tpu.memory_space<hbm>> -> memref<16x128xi32, #tpu.memory_space<hbm>>
          tpu.wait_dma2 semaphore(%arg10 : memref<!tpu.dma_semaphore, #tpu.memory_space<semaphore_mem>>) src(%dma_wait3A_125 : memref<16x128xi32, #tpu.memory_space<hbm>>) dst(%dma_wait3A_123 : memref<16x128xi32, #tpu.memory_space<vmem>>)
          %dma_wait3A_126 = arith.constant 0 : i32
          %dma_wait3A_127 = arith.constant 0 : i32
          %dma_wait3A_128 = tpu.memref_slice %arg7[%rem3A_94, %dma_wait3A_126, %dma_wait3A_127] : memref<2x16x128xi32, #tpu.memory_space<vmem>> -> memref<1x16x128xi32, #tpu.memory_space<vmem>>
          %dma_wait3A_129 = tpu.memref_squeeze %dma_wait3A_128 : memref<1x16x128xi32, #tpu.memory_space<vmem>> -> memref<16x128xi32, #tpu.memory_space<vmem>>
          %dma_wait3A_130 = arith.constant 0 : i32
          %dma_wait3A_131 = tpu.memref_slice %arg4[%add3A, %dma_wait3A_130] : memref<5120x128xi32, #tpu.memory_space<hbm>> -> memref<16x128xi32, #tpu.memory_space<hbm>>
          %dma_wait3A_132 = arith.constant 0 : i32
          %dma_wait3A_133 = arith.constant 0 : i32
          %dma_wait3A_134 = tpu.memref_slice %arg7[%rem3A_94, %dma_wait3A_132, %dma_wait3A_133] : memref<2x16x128xi32, #tpu.memory_space<vmem>> -> memref<1x16x128xi32, #tpu.memory_space<vmem>>
          %dma_wait3A_135 = tpu.memref_squeeze %dma_wait3A_134 : memref<1x16x128xi32, #tpu.memory_space<vmem>> -> memref<16x128xi32, #tpu.memory_space<vmem>>
          %dma_wait3A_136 = arith.constant 0 : i32
          %dma_wait3A_137 = tpu.memref_slice %arg4[%add3A, %dma_wait3A_136] : memref<5120x128xi32, #tpu.memory_space<hbm>> -> memref<16x128xi32, #tpu.memory_space<hbm>>
          tpu.wait_dma2 semaphore(%arg10 : memref<!tpu.dma_semaphore, #tpu.memory_space<semaphore_mem>>) src(%dma_wait3A_137 : memref<16x128xi32, #tpu.memory_space<hbm>>) dst(%dma_wait3A_135 : memref<16x128xi32, #tpu.memory_space<vmem>>)
        } else {
        }
        %dma_start3A_102 = arith.constant 0 : i32
        %dma_start3A_103 = arith.constant 0 : i32
        %dma_start3A_104 = tpu.memref_slice %arg8[%rem3A_56, %dma_start3A_102, %dma_start3A_103] : memref<2x128x128xf32, #tpu.memory_space<vmem>> -> memref<1x128x128xf32, #tpu.memory_space<vmem>>
        %dma_start3A_105 = tpu.memref_squeeze %dma_start3A_104 : memref<1x128x128xf32, #tpu.memory_space<vmem>> -> memref<128x128xf32, #tpu.memory_space<vmem>>
        %dma_start3A_106 = arith.constant 0 : i32
        %dma_start3A_107 = tpu.memref_slice %arg6[%rem3A_94, %rem3A_96, %dma_start3A_106] : memref<2x16x128xi32, #tpu.memory_space<vmem>> -> memref<1x1x128xi32, #tpu.memory_space<vmem>>
        %dma_start3A_108 = tpu.memref_squeeze %dma_start3A_107 : memref<1x1x128xi32, #tpu.memory_space<vmem>> -> memref<128xi32, #tpu.memory_space<vmem>>
        %dma_start3A_109 = arith.constant 0 : i32
        %dma_start3A_110 = arith.constant 0 : i32
        %dma_start3A_111 = tpu.memref_slice %arg2[%dma_start3A_109, %dma_start3A_110] : memref<20480x128xf32, #tpu.memory_space<hbm>> -> memref<20480x128xf32, #tpu.memory_space<hbm>>
        %dma_start3A_112 = tpu.memref_slice %arg9[%rem3A_56] : memref<2x!tpu.dma_semaphore, #tpu.memory_space<semaphore_mem>> -> memref<1x!tpu.dma_semaphore, #tpu.memory_space<semaphore_mem>>
        %dma_start3A_113 = tpu.memref_squeeze %dma_start3A_112 : memref<1x!tpu.dma_semaphore, #tpu.memory_space<semaphore_mem>> -> memref<!tpu.dma_semaphore, #tpu.memory_space<semaphore_mem>>
        tpu.enqueue_indirect_dma source(%dma_start3A_111 : memref<20480x128xf32, #tpu.memory_space<hbm>>) target(%dma_start3A_105 : memref<128x128xf32, #tpu.memory_space<vmem>>) offsets(%dma_start3A_108 : memref<128xi32, #tpu.memory_space<vmem>>) semaphore(%dma_start3A_113 : memref<!tpu.dma_semaphore, #tpu.memory_space<semaphore_mem>>)
      } else {
      }
    }
    %scan3A_46 = arith.constant 160 : i32
    %barrier3A_47 = arith.constant 0 : index
    tpu.barrier barrier_id(%barrier3A_47)
    %mul3A_48 = arith.constant 640 : i32
    %mul3A_49 = arith.muli %arg1, %mul3A_48 : i32
    %mul3A_50 = arith.constant 10240 : i32
    %mul3A_51 = arith.muli %arg0, %mul3A_50 : i32
    %mul3A_52 = arith.constant 640 : i32
    %mul3A_53 = arith.muli %arg1, %mul3A_52 : i32
    %add3A_54 = arith.addi %mul3A_51, %mul3A_53 : i32
    "tpu.region"() ({
      %run_scoped3A_55 = tpu.sem_alloc : memref<!tpu.dma_semaphore, #tpu.memory_space<semaphore_mem>>
      %dma_start3A_56 = arith.constant 0 : i32
      %dma_start3A_57 = tpu.memref_slice %arg5[%add3A_54, %dma_start3A_56] : memref<20480x128xf32, #tpu.memory_space<hbm>> -> memref<640x128xf32, #tpu.memory_space<hbm>>
      %dma_start3A_58 = arith.constant 0 : i32
      %dma_start3A_59 = tpu.memref_slice %arg11[%mul3A_49, %dma_start3A_58] : memref<10240x128xf32, #tpu.memory_space<vmem_shared>> -> memref<640x128xf32, #tpu.memory_space<vmem_shared>>
      tpu.enqueue_dma source(%dma_start3A_59 : memref<640x128xf32, #tpu.memory_space<vmem_shared>>) target(%dma_start3A_57 : memref<640x128xf32, #tpu.memory_space<hbm>>) target_semaphore(%run_scoped3A_55 : memref<!tpu.dma_semaphore, #tpu.memory_space<semaphore_mem>>)
      %dma_wait3A = arith.constant 0 : i32
      %dma_wait3A_60 = tpu.memref_slice %arg5[%add3A_54, %dma_wait3A] : memref<20480x128xf32, #tpu.memory_space<hbm>> -> memref<640x128xf32, #tpu.memory_space<hbm>>
      %dma_wait3A_61 = arith.constant 0 : i32
      %dma_wait3A_62 = tpu.memref_slice %arg11[%mul3A_49, %dma_wait3A_61] : memref<10240x128xf32, #tpu.memory_space<vmem_shared>> -> memref<640x128xf32, #tpu.memory_space<vmem_shared>>
      tpu.wait_dma2 semaphore(%run_scoped3A_55 : memref<!tpu.dma_semaphore, #tpu.memory_space<semaphore_mem>>) src(%dma_wait3A_62 : memref<640x128xf32, #tpu.memory_space<vmem_shared>>) dst(%dma_wait3A_60 : memref<640x128xf32, #tpu.memory_space<hbm>>)
      tpu.yield
    }) : () -> ()
    return
  }
}

module attributes {stable_mosaic.version = 14 : i64} {
  func.func @_prep_body(%arg0: i32, %arg1: i32, %arg2: memref<1x2048x128xf32, #tpu.memory_space<vmem>>, %arg3: memref<1x2048x128xf32, #tpu.memory_space<vmem>>, %arg4: memref<1x2048x128xf32, #tpu.memory_space<vmem>>) attributes {dimension_semantics = [#tpu.dimension_semantics<arbitrary>, #tpu.dimension_semantics<arbitrary>], iteration_bounds = array<i64: 2, 5>, scalar_prefetch = 0 : i64, scratch_operands = 0 : i64, tpu.core_type = #tpu.core_type<tc>, window_params = [{transform_indices = @transform_0, window_bounds = array<i64: 1, 2048, 128>}, {transform_indices = @transform_1, window_bounds = array<i64: 1, 2048, 128>}, {transform_indices = @transform_2, window_bounds = array<i64: 1, 2048, 128>}]} {
    %get3A = arith.constant 0 : index
    %get3A_0 = arith.constant 0 : index
    %get3A_1 = arith.constant 0 : index
    %get3A_2 = vector.load %arg2[%get3A, %get3A_0, %get3A_1] : memref<1x2048x128xf32, #tpu.memory_space<vmem>>, vector<1x2048x128xf32>
    %get3A_3 = vector.shape_cast %get3A_2 : vector<1x2048x128xf32> to vector<2048x128xf32>
    %slice3A = vector.extract_strided_slice %get3A_3 {offsets = [0, 0], sizes = [2048, 1], strides = [1, 1]} : vector<2048x128xf32> to vector<2048x1xf32>
    %rsqrt3A = math.rsqrt %slice3A : vector<2048x1xf32>
    %get3A_4 = arith.constant 0 : index
    %get3A_5 = arith.constant 0 : index
    %get3A_6 = arith.constant 0 : index
    %get3A_7 = vector.load %arg3[%get3A_4, %get3A_5, %get3A_6] : memref<1x2048x128xf32, #tpu.memory_space<vmem>>, vector<1x2048x128xf32>
    %get3A_8 = vector.shape_cast %get3A_7 : vector<1x2048x128xf32> to vector<2048x128xf32>
    %mul3A = vector.broadcast %rsqrt3A : vector<2048x1xf32> to vector<2048x128xf32>
    %mul3A_9 = arith.mulf %get3A_8, %mul3A : vector<2048x128xf32>
    %swap3A = arith.constant 0 : index
    %swap3A_10 = arith.constant 0 : index
    %swap3A_11 = arith.constant 0 : index
    %swap3A_12 = vector.load %arg4[%swap3A, %swap3A_10, %swap3A_11] : memref<1x2048x128xf32, #tpu.memory_space<vmem>>, vector<1x2048x128xf32>
    %swap3A_13 = vector.shape_cast %swap3A_12 : vector<1x2048x128xf32> to vector<2048x128xf32>
    %swap3A_14 = vector.shape_cast %mul3A_9 : vector<2048x128xf32> to vector<1x2048x128xf32>
    tpu.vector_store %arg4[%swap3A, %swap3A_10, %swap3A_11], %swap3A_14 {strides = array<i32>} : memref<1x2048x128xf32, #tpu.memory_space<vmem>>, vector<1x2048x128xf32>,
    return
  }
  func.func @transform_0(%arg0: i32, %arg1: i32) -> (i32, i32, i32) {
    %c0_i32 = arith.constant 0 : i32
    %c0_i32_0 = arith.constant 0 : i32
    return %arg0, %arg1, %c0_i32 : i32, i32, i32
  }
  func.func @transform_1(%arg0: i32, %arg1: i32) -> (i32, i32, i32) {
    %c0_i32 = arith.constant 0 : i32
    %c0_i32_0 = arith.constant 0 : i32
    return %arg0, %arg1, %c0_i32 : i32, i32, i32
  }
  func.func @transform_2(%arg0: i32, %arg1: i32) -> (i32, i32, i32) {
    %c0_i32 = arith.constant 0 : i32
    %c0_i32_0 = arith.constant 0 : i32
    return %arg0, %arg1, %c0_i32 : i32, i32, i32
  }
}

module attributes {stable_mosaic.version = 14 : i64} {
  func.func @_mid_body(%arg0: i32, %arg1: i32, %arg2: memref<1x2048x128xf32, #tpu.memory_space<vmem>>, %arg3: memref<1x2048x128xf32, #tpu.memory_space<vmem>>, %arg4: memref<1x128x256xf32, #tpu.memory_space<vmem>>, %arg5: memref<2x256xf32, #tpu.memory_space<vmem>>, %arg6: memref<1x256x128xf32, #tpu.memory_space<vmem>>, %arg7: memref<1x2048x128xf32, #tpu.memory_space<vmem>>) attributes {dimension_semantics = [#tpu.dimension_semantics<arbitrary>, #tpu.dimension_semantics<arbitrary>], iteration_bounds = array<i64: 2, 5>, scalar_prefetch = 0 : i64, scratch_operands = 0 : i64, tpu.core_type = #tpu.core_type<tc>, window_params = [{transform_indices = @transform_0, window_bounds = array<i64: 1, 2048, 128>}, {transform_indices = @transform_1, window_bounds = array<i64: 1, 2048, 128>}, {transform_indices = @transform_2, window_bounds = array<i64: 1, 128, 256>}, {pipeline_mode = #tpu.pipeline_mode<synchronous>, transform_indices = @transform_3, window_bounds = array<i64: 2, 256>}, {transform_indices = @transform_4, window_bounds = array<i64: 1, 256, 128>}, {transform_indices = @transform_5, window_bounds = array<i64: 1, 2048, 128>}]} {
    %get3A = arith.constant 0 : index
    %get3A_0 = arith.constant 0 : index
    %get3A_1 = arith.constant 0 : index
    %get3A_2 = vector.load %arg3[%get3A, %get3A_0, %get3A_1] : memref<1x2048x128xf32, #tpu.memory_space<vmem>>, vector<1x2048x128xf32>
    %get3A_3 = vector.shape_cast %get3A_2 : vector<1x2048x128xf32> to vector<2048x128xf32>
    %slice3A = vector.extract_strided_slice %get3A_3 {offsets = [0, 0], sizes = [2048, 1], strides = [1, 1]} : vector<2048x128xf32> to vector<2048x1xf32>
    %rsqrt3A = math.rsqrt %slice3A : vector<2048x1xf32>
    %get3A_4 = arith.constant 0 : index
    %get3A_5 = arith.constant 0 : index
    %get3A_6 = arith.constant 0 : index
    %get3A_7 = vector.load %arg2[%get3A_4, %get3A_5, %get3A_6] : memref<1x2048x128xf32, #tpu.memory_space<vmem>>, vector<1x2048x128xf32>
    %get3A_8 = vector.shape_cast %get3A_7 : vector<1x2048x128xf32> to vector<2048x128xf32>
    %mul3A = vector.broadcast %rsqrt3A : vector<2048x1xf32> to vector<2048x128xf32>
    %mul3A_9 = arith.mulf %get3A_8, %mul3A : vector<2048x128xf32>
    %get3A_10 = arith.index_cast %arg0 : i32 to index
    %get3A_11 = arith.constant 0 : index
    %get3A_12 = vector.load %arg5[%get3A_10, %get3A_11] : memref<2x256xf32, #tpu.memory_space<vmem>>, vector<1x256xf32>
    %get3A_13 = arith.constant 0 : index
    %get3A_14 = arith.constant 0 : index
    %get3A_15 = arith.constant 0 : index
    %get3A_16 = vector.load %arg4[%get3A_13, %get3A_14, %get3A_15] : memref<1x128x256xf32, #tpu.memory_space<vmem>>, vector<1x128x256xf32>
    %get3A_17 = vector.shape_cast %get3A_16 : vector<1x128x256xf32> to vector<128x256xf32>
    %dot_general3A = arith.constant dense<0.000000e+00> : vector<2048x256xf32>
    %dot_general3A_18 = tpu.matmul %mul3A_9, %get3A_17, %dot_general3A {dimension_numbers = #tpu.dot_dimension_numbers<[1], [0], [0], [1], [0, 0, 1, 1], [], []>, transpose_lhs_hint = false} : vector<2048x128xf32>, vector<128x256xf32>, vector<2048x256xf32> -> vector<2048x256xf32>
    %add3A = vector.broadcast %get3A_12 : vector<1x256xf32> to vector<2048x256xf32>
    %add3A_19 = arith.addf %dot_general3A_18, %add3A : vector<2048x256xf32>
    %max3A = arith.constant 0.000000e+00 : f32
    %max3A_20 = vector.broadcast %max3A : f32 to vector<2048x256xf32>
    %max3A_21 = arith.maximumf %add3A_19, %max3A_20 : vector<2048x256xf32>
    %get3A_22 = arith.constant 0 : index
    %get3A_23 = arith.constant 0 : index
    %get3A_24 = arith.constant 0 : index
    %get3A_25 = vector.load %arg6[%get3A_22, %get3A_23, %get3A_24] : memref<1x256x128xf32, #tpu.memory_space<vmem>>, vector<1x256x128xf32>
    %get3A_26 = vector.shape_cast %get3A_25 : vector<1x256x128xf32> to vector<256x128xf32>
    %dot_general3A_27 = arith.constant dense<0.000000e+00> : vector<2048x128xf32>
    %dot_general3A_28 = tpu.matmul %max3A_21, %get3A_26, %dot_general3A_27 {dimension_numbers = #tpu.dot_dimension_numbers<[1], [0], [0], [1], [0, 0, 1, 1], [], []>, transpose_lhs_hint = false} : vector<2048x256xf32>, vector<256x128xf32>, vector<2048x128xf32> -> vector<2048x128xf32>
    %mul3A_29 = vector.broadcast %rsqrt3A : vector<2048x1xf32> to vector<2048x128xf32>
    %mul3A_30 = arith.mulf %dot_general3A_28, %mul3A_29 : vector<2048x128xf32>
    %swap3A = arith.constant 0 : index
    %swap3A_31 = arith.constant 0 : index
    %swap3A_32 = arith.constant 0 : index
    %swap3A_33 = vector.load %arg7[%swap3A, %swap3A_31, %swap3A_32] : memref<1x2048x128xf32, #tpu.memory_space<vmem>>, vector<1x2048x128xf32>
    %swap3A_34 = vector.shape_cast %swap3A_33 : vector<1x2048x128xf32> to vector<2048x128xf32>
    %swap3A_35 = vector.shape_cast %mul3A_30 : vector<2048x128xf32> to vector<1x2048x128xf32>
    tpu.vector_store %arg7[%swap3A, %swap3A_31, %swap3A_32], %swap3A_35 {strides = array<i32>} : memref<1x2048x128xf32, #tpu.memory_space<vmem>>, vector<1x2048x128xf32>,
    return
  }
  func.func @transform_0(%arg0: i32, %arg1: i32) -> (i32, i32, i32) {
    %c0_i32 = arith.constant 0 : i32
    %c0_i32_0 = arith.constant 0 : i32
    return %arg0, %arg1, %c0_i32 : i32, i32, i32
  }
  func.func @transform_1(%arg0: i32, %arg1: i32) -> (i32, i32, i32) {
    %c0_i32 = arith.constant 0 : i32
    %c0_i32_0 = arith.constant 0 : i32
    return %arg0, %arg1, %c0_i32 : i32, i32, i32
  }
  func.func @transform_2(%arg0: i32, %arg1: i32) -> (i32, i32, i32) {
    %c0_i32 = arith.constant 0 : i32
    %c0_i32_0 = arith.constant 0 : i32
    %c0_i32_1 = arith.constant 0 : i32
    return %arg0, %c0_i32, %c0_i32_0 : i32, i32, i32
  }
  func.func @transform_3(%arg0: i32, %arg1: i32) -> (i32, i32) {
    %c0_i32 = arith.constant 0 : i32
    %c0_i32_0 = arith.constant 0 : i32
    %c0_i32_1 = arith.constant 0 : i32
    return %c0_i32, %c0_i32_0 : i32, i32
  }
  func.func @transform_4(%arg0: i32, %arg1: i32) -> (i32, i32, i32) {
    %c0_i32 = arith.constant 0 : i32
    %c0_i32_0 = arith.constant 0 : i32
    %c0_i32_1 = arith.constant 0 : i32
    return %arg0, %c0_i32, %c0_i32_0 : i32, i32, i32
  }
  func.func @transform_5(%arg0: i32, %arg1: i32) -> (i32, i32, i32) {
    %c0_i32 = arith.constant 0 : i32
    %c0_i32_0 = arith.constant 0 : i32
    return %arg0, %arg1, %c0_i32 : i32, i32, i32
  }
}

module attributes {stable_mosaic.version = 14 : i64} {
  func.func @_gate_body(%arg0: memref<2x10000x128xf32, #tpu.memory_space<vmem>>, %arg1: memref<2x128x128xf32, #tpu.memory_space<vmem>>, %arg2: memref<128xf32, #tpu.memory_space<vmem>>, %arg3: memref<128x2xf32, #tpu.memory_space<vmem>>, %arg4: memref<2xf32, #tpu.memory_space<vmem>>, %arg5: memref<1x2xf32, #tpu.memory_space<vmem>>) attributes {dimension_semantics = [], scalar_prefetch = 0 : i64, scratch_operands = 0 : i64, tpu.core_type = #tpu.core_type<tc>} {
    %get3A = arith.constant 0 : index
    %get3A_0 = arith.constant 0 : index
    %get3A_1 = arith.constant 0 : index
    %get3A_2 = vector.load %arg0[%get3A, %get3A_0, %get3A_1] : memref<2x10000x128xf32, #tpu.memory_space<vmem>>, vector<2x10000x128xf32>
    %reduce_sum3A = arith.constant dense<0.000000e+00> : vector<2x128xf32>
    %reduce_sum3A_3 = vector.multi_reduction <add>, %get3A_2, %reduce_sum3A [1] : vector<2x10000x128xf32> to vector<2x128xf32>
    %mul3A = arith.constant 9.99999974E-5 : f32
    %mul3A_4 = vector.broadcast %mul3A : f32 to vector<2x128xf32>
    %mul3A_5 = arith.mulf %reduce_sum3A_3, %mul3A_4 : vector<2x128xf32>
    %slice3A = vector.extract_strided_slice %mul3A_5 {offsets = [0, 0], sizes = [1, 128], strides = [1, 1]} : vector<2x128xf32> to vector<1x128xf32>
    %get3A_6 = arith.constant 0 : index
    %get3A_7 = arith.constant 0 : index
    %get3A_8 = arith.constant 0 : index
    %get3A_9 = vector.load %arg1[%get3A_6, %get3A_7, %get3A_8] : memref<2x128x128xf32, #tpu.memory_space<vmem>>, vector<1x128x128xf32>
    %get3A_10 = vector.shape_cast %get3A_9 : vector<1x128x128xf32> to vector<128x128xf32>
    %dot_general3A = arith.constant dense<0.000000e+00> : vector<1x128xf32>
    %dot_general3A_11 = tpu.matmul %slice3A, %get3A_10, %dot_general3A {dimension_numbers = #tpu.dot_dimension_numbers<[1], [0], [0], [1], [0, 0, 1, 1], [], []>, transpose_lhs_hint = false} : vector<1x128xf32>, vector<128x128xf32>, vector<1x128xf32> -> vector<1x128xf32>
    %slice3A_12 = vector.extract_strided_slice %mul3A_5 {offsets = [1, 0], sizes = [1, 128], strides = [1, 1]} : vector<2x128xf32> to vector<1x128xf32>
    %get3A_13 = arith.constant 1 : index
    %get3A_14 = arith.constant 0 : index
    %get3A_15 = arith.constant 0 : index
    %get3A_16 = vector.load %arg1[%get3A_13, %get3A_14, %get3A_15] : memref<2x128x128xf32, #tpu.memory_space<vmem>>, vector<1x128x128xf32>
    %get3A_17 = vector.shape_cast %get3A_16 : vector<1x128x128xf32> to vector<128x128xf32>
    %dot_general3A_18 = arith.constant dense<0.000000e+00> : vector<1x128xf32>
    %dot_general3A_19 = tpu.matmul %slice3A_12, %get3A_17, %dot_general3A_18 {dimension_numbers = #tpu.dot_dimension_numbers<[1], [0], [0], [1], [0, 0, 1, 1], [], []>, transpose_lhs_hint = false} : vector<1x128xf32>, vector<128x128xf32>, vector<1x128xf32> -> vector<1x128xf32>
    %add3A = arith.addf %dot_general3A_11, %dot_general3A_19 : vector<1x128xf32>
    %get3A_20 = arith.constant 0 : index
    %get3A_21 = vector.load %arg2[%get3A_20] : memref<128xf32, #tpu.memory_space<vmem>>, vector<128xf32>
    %broadcast_in_dim3A = vector.shape_cast %get3A_21 : vector<128xf32> to vector<1x128xf32>
    %add3A_22 = arith.addf %add3A, %broadcast_in_dim3A : vector<1x128xf32>
    %max3A = arith.constant 0.000000e+00 : f32
    %max3A_23 = vector.broadcast %max3A : f32 to vector<1x128xf32>
    %max3A_24 = arith.maximumf %add3A_22, %max3A_23 : vector<1x128xf32>
    %get3A_25 = arith.constant 0 : index
    %get3A_26 = arith.constant 0 : index
    %get3A_27 = vector.load %arg3[%get3A_25, %get3A_26] : memref<128x2xf32, #tpu.memory_space<vmem>>, vector<128x2xf32>
    %dot_general3A_28 = arith.constant dense<0.000000e+00> : vector<1x2xf32>
    %dot_general3A_29 = tpu.matmul %max3A_24, %get3A_27, %dot_general3A_28 {dimension_numbers = #tpu.dot_dimension_numbers<[1], [0], [0], [1], [0, 0, 1, 1], [], []>, transpose_lhs_hint = false} : vector<1x128xf32>, vector<128x2xf32>, vector<1x2xf32> -> vector<1x2xf32>
    %get3A_30 = arith.constant 0 : index
    %get3A_31 = vector.load %arg4[%get3A_30] : memref<2xf32, #tpu.memory_space<vmem>>, vector<2xf32>
    %broadcast_in_dim3A_32 = vector.shape_cast %get3A_31 : vector<2xf32> to vector<1x2xf32>
    %add3A_33 = arith.addf %dot_general3A_29, %broadcast_in_dim3A_32 : vector<1x2xf32>
    %reduce_max3A = vector.shape_cast %add3A_33 : vector<1x2xf32> to vector<1x1x2xf32>
    %reduce_max3A_34 = arith.constant dense<0xFF800000> : vector<1xf32>
    %reduce_max3A_35 = vector.multi_reduction <maximumf>, %reduce_max3A, %reduce_max3A_34 [1, 2] : vector<1x1x2xf32> to vector<1xf32>
    %reduce_max3A_36 = vector.shape_cast %reduce_max3A_35 : vector<1xf32> to vector<1x1x1xf32>
    %reduce_max3A_37 = vector.extract %reduce_max3A_36[0, 0, 0] : f32 from vector<1x1x1xf32>
    %sub3A = vector.broadcast %reduce_max3A_37 : f32 to vector<1x2xf32>
    %sub3A_38 = arith.subf %add3A_33, %sub3A : vector<1x2xf32>
    %exp3A = math.exp %sub3A_38 : vector<1x2xf32>
    %reduce_sum3A_39 = vector.shape_cast %exp3A : vector<1x2xf32> to vector<1x1x2xf32>
    %reduce_sum3A_40 = arith.constant dense<0.000000e+00> : vector<1xf32>
    %reduce_sum3A_41 = vector.multi_reduction <add>, %reduce_sum3A_39, %reduce_sum3A_40 [1, 2] : vector<1x1x2xf32> to vector<1xf32>
    %reduce_sum3A_42 = vector.shape_cast %reduce_sum3A_41 : vector<1xf32> to vector<1x1x1xf32>
    %reduce_sum3A_43 = vector.extract %reduce_sum3A_42[0, 0, 0] : f32 from vector<1x1x1xf32>
    %div3A = vector.broadcast %reduce_sum3A_43 : f32 to vector<1x2xf32>
    %div3A_44 = arith.divf %exp3A, %div3A : vector<1x2xf32>
    %swap3A = arith.constant 0 : index
    %swap3A_45 = arith.constant 0 : index
    %swap3A_46 = vector.load %arg5[%swap3A, %swap3A_45] : memref<1x2xf32, #tpu.memory_space<vmem>>, vector<1x2xf32>
    tpu.vector_store %arg5[%swap3A, %swap3A_45], %div3A_44 {strides = array<i32>} : memref<1x2xf32, #tpu.memory_space<vmem>>, vector<1x2xf32>,
    return
  }
}

module attributes {stable_mosaic.version = 14 : i64} {
  func.func @_comb_body(%arg0: i32, %arg1: memref<2x2048x128xf32, #tpu.memory_space<vmem>>, %arg2: memref<2x2048x128xf32, #tpu.memory_space<vmem>>, %arg3: memref<1x2xf32, #tpu.memory_space<vmem>>, %arg4: memref<2x128xf32, #tpu.memory_space<vmem>>, %arg5: memref<2048x128xf32, #tpu.memory_space<vmem>>) attributes {dimension_semantics = [#tpu.dimension_semantics<arbitrary>], iteration_bounds = array<i64: 5>, scalar_prefetch = 0 : i64, scratch_operands = 0 : i64, tpu.core_type = #tpu.core_type<tc>, window_params = [{transform_indices = @transform_0, window_bounds = array<i64: 2, 2048, 128>}, {transform_indices = @transform_1, window_bounds = array<i64: 2, 2048, 128>}, {pipeline_mode = #tpu.pipeline_mode<synchronous>, transform_indices = @transform_2, window_bounds = array<i64: 1, 2>}, {pipeline_mode = #tpu.pipeline_mode<synchronous>, transform_indices = @transform_3, window_bounds = array<i64: 2, 128>}, {transform_indices = @transform_4, window_bounds = array<i64: 2048, 128>}]} {
    %get3A = arith.constant 0 : index
    %get3A_0 = arith.constant 0 : index
    %get3A_1 = arith.constant 0 : index
    %get3A_2 = vector.load %arg1[%get3A, %get3A_0, %get3A_1] : memref<2x2048x128xf32, #tpu.memory_space<vmem>>, vector<1x2048x128xf32>
    %get3A_3 = vector.shape_cast %get3A_2 : vector<1x2048x128xf32> to vector<2048x128xf32>
    %get3A_4 = arith.constant 0 : index
    %get3A_5 = arith.constant 0 : index
    %get3A_6 = arith.constant 0 : index
    %get3A_7 = vector.load %arg2[%get3A_4, %get3A_5, %get3A_6] : memref<2x2048x128xf32, #tpu.memory_space<vmem>>, vector<1x2048x128xf32>
    %get3A_8 = vector.shape_cast %get3A_7 : vector<1x2048x128xf32> to vector<2048x128xf32>
    %slice3A = vector.extract_strided_slice %get3A_8 {offsets = [0, 0], sizes = [2048, 1], strides = [1, 1]} : vector<2048x128xf32> to vector<2048x1xf32>
    %rsqrt3A = math.rsqrt %slice3A : vector<2048x1xf32>
    %mul3A = vector.broadcast %rsqrt3A : vector<2048x1xf32> to vector<2048x128xf32>
    %mul3A_9 = arith.mulf %get3A_3, %mul3A : vector<2048x128xf32>
    %get3A_10 = arith.constant 0 : index
    %get3A_11 = arith.constant 0 : index
    %get3A_12 = vector.load %arg4[%get3A_10, %get3A_11] : memref<2x128xf32, #tpu.memory_space<vmem>>, vector<1x128xf32>
    %get3A_13 = vector.shape_cast %get3A_12 : vector<1x128xf32> to vector<128xf32>
    %broadcast_in_dim3A = vector.shape_cast %get3A_13 : vector<128xf32> to vector<1x128xf32>
    %add3A = vector.broadcast %broadcast_in_dim3A : vector<1x128xf32> to vector<2048x128xf32>
    %add3A_14 = arith.addf %mul3A_9, %add3A : vector<2048x128xf32>
    %get3A_15 = arith.constant 1 : index
    %get3A_16 = arith.constant 0 : index
    %get3A_17 = arith.constant 0 : index
    %get3A_18 = vector.load %arg1[%get3A_15, %get3A_16, %get3A_17] : memref<2x2048x128xf32, #tpu.memory_space<vmem>>, vector<1x2048x128xf32>
    %get3A_19 = vector.shape_cast %get3A_18 : vector<1x2048x128xf32> to vector<2048x128xf32>
    %get3A_20 = arith.constant 1 : index
    %get3A_21 = arith.constant 0 : index
    %get3A_22 = arith.constant 0 : index
    %get3A_23 = vector.load %arg2[%get3A_20, %get3A_21, %get3A_22] : memref<2x2048x128xf32, #tpu.memory_space<vmem>>, vector<1x2048x128xf32>
    %get3A_24 = vector.shape_cast %get3A_23 : vector<1x2048x128xf32> to vector<2048x128xf32>
    %slice3A_25 = vector.extract_strided_slice %get3A_24 {offsets = [0, 0], sizes = [2048, 1], strides = [1, 1]} : vector<2048x128xf32> to vector<2048x1xf32>
    %rsqrt3A_26 = math.rsqrt %slice3A_25 : vector<2048x1xf32>
    %mul3A_27 = vector.broadcast %rsqrt3A_26 : vector<2048x1xf32> to vector<2048x128xf32>
    %mul3A_28 = arith.mulf %get3A_19, %mul3A_27 : vector<2048x128xf32>
    %get3A_29 = arith.constant 1 : index
    %get3A_30 = arith.constant 0 : index
    %get3A_31 = vector.load %arg4[%get3A_29, %get3A_30] : memref<2x128xf32, #tpu.memory_space<vmem>>, vector<1x128xf32>
    %get3A_32 = vector.shape_cast %get3A_31 : vector<1x128xf32> to vector<128xf32>
    %broadcast_in_dim3A_33 = vector.shape_cast %get3A_32 : vector<128xf32> to vector<1x128xf32>
    %add3A_34 = vector.broadcast %broadcast_in_dim3A_33 : vector<1x128xf32> to vector<2048x128xf32>
    %add3A_35 = arith.addf %mul3A_28, %add3A_34 : vector<2048x128xf32>
    %get3A_36 = arith.constant 0 : index
    %get3A_37 = arith.constant 0 : index
    %get3A_38 = vector.load %arg3[%get3A_36, %get3A_37] : memref<1x2xf32, #tpu.memory_space<vmem>>, vector<1x1xf32>
    %mul3A_39 = vector.broadcast %get3A_38 : vector<1x1xf32> to vector<2048x128xf32>
    %mul3A_40 = arith.mulf %mul3A_39, %add3A_14 : vector<2048x128xf32>
    %get3A_41 = arith.constant 0 : index
    %get3A_42 = arith.constant 1 : index
    %get3A_43 = vector.load %arg3[%get3A_41, %get3A_42] : memref<1x2xf32, #tpu.memory_space<vmem>>, vector<1x1xf32>
    %mul3A_44 = vector.broadcast %get3A_43 : vector<1x1xf32> to vector<2048x128xf32>
    %mul3A_45 = arith.mulf %mul3A_44, %add3A_35 : vector<2048x128xf32>
    %add3A_46 = arith.addf %mul3A_40, %mul3A_45 : vector<2048x128xf32>
    %swap3A = arith.constant 0 : index
    %swap3A_47 = arith.constant 0 : index
    %swap3A_48 = vector.load %arg5[%swap3A, %swap3A_47] : memref<2048x128xf32, #tpu.memory_space<vmem>>, vector<2048x128xf32>
    tpu.vector_store %arg5[%swap3A, %swap3A_47], %add3A_46 {strides = array<i32>} : memref<2048x128xf32, #tpu.memory_space<vmem>>, vector<2048x128xf32>,
    return
  }
  func.func @transform_0(%arg0: i32) -> (i32, i32, i32) {
    %c0_i32 = arith.constant 0 : i32
    %c0_i32_0 = arith.constant 0 : i32
    %c0_i32_1 = arith.constant 0 : i32
    return %c0_i32, %arg0, %c0_i32_0 : i32, i32, i32
  }
  func.func @transform_1(%arg0: i32) -> (i32, i32, i32) {
    %c0_i32 = arith.constant 0 : i32
    %c0_i32_0 = arith.constant 0 : i32
    %c0_i32_1 = arith.constant 0 : i32
    return %c0_i32, %arg0, %c0_i32_0 : i32, i32, i32
  }
  func.func @transform_2(%arg0: i32) -> (i32, i32) {
    %c0_i32 = arith.constant 0 : i32
    %c0_i32_0 = arith.constant 0 : i32
    %c0_i32_1 = arith.constant 0 : i32
    return %c0_i32, %c0_i32_0 : i32, i32
  }
  func.func @transform_3(%arg0: i32) -> (i32, i32) {
    %c0_i32 = arith.constant 0 : i32
    %c0_i32_0 = arith.constant 0 : i32
    %c0_i32_1 = arith.constant 0 : i32
    return %c0_i32, %c0_i32_0 : i32, i32
  }
  func.func @transform_4(%arg0: i32) -> (i32, i32) {
    %c0_i32 = arith.constant 0 : i32
    %c0_i32_0 = arith.constant 0 : i32
    return %arg0, %c0_i32 : i32, i32
  }
}

</mosaic_0001>

<sc_bundles>
// kernel: kernel.12.cloned.1.call-start
scs
__scs_entry_jumppad:
0x0: {  	(pc) =	sbr.rel $0x88, $3  }
0x1: {  	(tag) =	ssettag $0x0;
	lr =	simm.s32 $0x1  }
0x2: {  	[smem:$0x3F97] =	sst lr;
	_ =	strace $0xD0000000  }
0x3: {  	_ = 	snop  }
0x4: {  	_ = 	snop  }
0x5: {  	_ = 	snop  }
0x6: {  	_ = 	snop  }
0x7: {  	_ = 	snop  }
__scs_overlays_trampoline_lowered:
0x8: {  	[smem:$0x3FA6] =	sst s0  }
0x9: {  	[smem:$0x3FA7] =	sst s1  }
0xa: {  	[smem:$0x3FA8] =	sst s2  }
0xb: {  	[smem:$0x3FA9] =	sst s3  }
0xc: {  	[smem:$0x3FAA] =	sst s4  }
0xd: {  	[smem:$0x3FAB] =	sst s5  }
0xe: {  	[smem:$0x3FAC] =	sst s6  }
0xf: {  	[smem:$0x3FAD] =	sst s7  }
0x10: {  	[smem:$0x3FAE] =	sst s8  }
0x11: {  	[smem:$0x3FAF] =	sst s9;
	s0 =	simm.s32 @!p0 $0x0  }
0x12: {  	s1 =	sld [smem:$0x3F95];
	s0 =	simm.s32 @p0 $0x1  }
0x13: {  	[smem:$0x3FB0] =	sst s0;
	s0 =	simm.s32 @!p1 $0x0  }
0x14: {  	s2 =	sld [smem:$0x3F94];
	s0 =	simm.s32 @p1 $0x1  }
0x15: {  	[smem:$0x3FB1] =	sst s0;
	s0 =	simm.s32 @!p2 $0x0  }
0x16: {  	s3 =	sld [smem:$0x3FDB];
	s0 =	simm.s32 @p2 $0x1  }
0x17: {  	s4 =	simm.s32 $0x1BF5;
	[smem:$0x3FB3] =	sst s0  }
0x18: {  	s0 =	sld [smem:$0x3F96];
	_ =	swait.ge [sflag:s4], $0x0  }
0x19: {  	s7 =	sld [smem:$0x3F97]  }
0x1a: {  	s8 =	sadd.s32 $0xFFFFE003, lr  }
0x1b: {  	s9 =	sadd.s32 $0xFFFFFEF7, lr;
	s5 =	simm.s32 $0xFFFFFFFF;
	p2 =	slt.u32 s8, $0xFFFFF086  }
0x1c: {  	p1 =	slt.u32 s9, $0xF7A;
	s5 =	simm.s32 @!p2 $0x0  }
0x1d: {  	s5 =	simm.s32 @p1 $0x1;
	p0 =	seq.s32 s7, s2  }
0x1e: {  	s7 =	smul.u32 @!p0 $0xF7A, s2;
	p2 =	seq.s32 @!p0 s5, $0x0  }
0x1f: {  	s9 =	smul.u32 $0xF7A, s1;
	s8 =	simm.s32 @!p0 $0x1BF5;
	p2 =	por !p2, p0  }
0x20: {  	[sflag:s8] =	ssyncset.s32 @!p0 $0xFFFFF086;
	s6 =	sadd.s32 @!p0 s3, s7;
	s7 =	simm.s32 @!p0 $0x108  }
0x21: {  	s3 =	sadd.s32 s3, s9;
	s6 =	sadd.s32 @!p0 $0x88, s6;
	s7 =	simm.s32 @p2 $0x1082  }
0x22: {  	[simem:s7], [sflag:s8] =	dma.local @!p0 [hbm:s6], $0xF7A  }
0x23: {  	s9 =	sor.u32 $0xD0000000, s2;
	s6 =	simm.s32 $0x108;
	_ =	swait.ge @!p0 [sflag:s8], $0x0  }
0x24: {  	s3 =	sadd.s32 $0x88, s3;
	s6 =	simm.s32 @!p1 $0x1082;
	[sflag:s4] =	ssyncset.s32 $0xFFFFF086  }
0x25: {  	[simem:s6], [sflag:s4] =	dma.local [hbm:s3], $0xF7A  }
0x26: {  	[smem:$0x3F97] =	sst s1;
	(tag) =	ssettag s2;
	_ =	strace s9  }
0x27: {  	s1 =	sld [smem:$0x3FA7]  }
0x28: {  	s2 =	sld [smem:$0x3FA8]  }
0x29: {  	s4 =	sld [smem:$0x3FAA]  }
0x2a: {  	p0 =	seq.s32 s5, $0x0;
	s5 =	sld [smem:$0x3FAB]  }
0x2b: {  	s6 =	sld [smem:$0x3FAC]  }
0x2c: {  	s7 =	sld [smem:$0x3FAD]  }
0x2d: {  	s3 =	simm.s32 $0x108;
	s8 =	sld [smem:$0x3FAE]  }
0x2e: {  	s3 =	simm.s32 @!p0 $0x1082;
	s9 =	sld [smem:$0x3FAF]  }
0x2f: {  	lr =	sadd.s32 s0, s3;
	s0 =	sld [smem:$0x3FA6]  }
0x30: {  	s3 =	sld [smem:$0x3FA9]  }
0x31: {  	[smem:$0x3FB2] =	sst s10  }
0x32: {  	s10 =	sld [smem:$0x3FB0];
	_ =	sdelay $0x3  }
0x33: {  	p0 =	seq.s32 s10, $0x1;
	s10 =	sld [smem:$0x3FB2];
	_ =	sdelay $0x3  }
0x34: {  	[smem:$0x3FB2] =	sst s10  }
0x35: {  	s10 =	sld [smem:$0x3FB1];
	_ =	sdelay $0x3  }
0x36: {  	p1 =	seq.s32 s10, $0x1;
	s10 =	sld [smem:$0x3FB2];
	_ =	sdelay $0x3  }
0x37: {  	[smem:$0x3FB2] =	sst s10  }
0x38: {  	s10 =	sld [smem:$0x3FB3]  }
0x39: {  	_ = 	snop;
	(pc) =	sbr.ind lr, $3  }
0x3a: {  	_ = 	snop  }
0x3b: {  	_ = 	snop  }
0x3c: {  	p2 =	seq.s32 s10, $0x1;
	s10 =	sld [smem:$0x3FB2]  }
0x3d: {  	_ =	shalt  }
0x3e: {  	_ =	shalt  }
0x3f: {  	_ =	shalt  }
0x40: {  	_ =	shalt  }
0x41: {  	_ =	shalt  }
0x42: {  	_ =	shalt  }
0x43: {  	_ =	shalt  }
0x44: {  	_ =	shalt  }
0x45: {  	_ =	shalt  }
0x46: {  	_ =	shalt  }
0x47: {  	_ =	shalt  }
0x48: {  	_ =	shalt  }
0x49: {  	_ =	shalt  }
0x4a: {  	_ =	shalt  }
0x4b: {  	_ =	shalt  }
0x4c: {  	_ =	shalt  }
0x4d: {  	_ =	shalt  }
0x4e: {  	_ =	shalt  }
0x4f: {  	_ =	shalt  }
0x50: {  	_ =	shalt  }
0x51: {  	_ =	shalt  }
0x52: {  	_ =	shalt  }
0x53: {  	_ =	shalt  }
0x54: {  	_ =	shalt  }
0x55: {  	_ =	shalt  }
0x56: {  	_ =	shalt  }
0x57: {  	_ =	shalt  }
0x58: {  	_ =	shalt  }
0x59: {  	_ =	shalt  }
0x5a: {  	_ =	shalt  }
0x5b: {  	_ =	shalt  }
0x5c: {  	_ =	shalt  }
0x5d: {  	_ =	shalt  }
0x5e: {  	_ =	shalt  }
0x5f: {  	_ =	shalt  }
0x60: {  	_ =	shalt  }
0x61: {  	_ =	shalt  }
0x62: {  	_ =	shalt  }
0x63: {  	_ =	shalt  }
0x64: {  	_ =	shalt  }
0x65: {  	_ =	shalt  }
0x66: {  	_ =	shalt  }
0x67: {  	_ =	shalt  }
0x68: {  	_ =	shalt  }
0x69: {  	_ =	shalt  }
0x6a: {  	_ =	shalt  }
0x6b: {  	_ =	shalt  }
0x6c: {  	_ =	shalt  }
0x6d: {  	_ =	shalt  }
0x6e: {  	_ =	shalt  }
0x6f: {  	_ =	shalt  }
0x70: {  	_ =	shalt  }
0x71: {  	_ =	shalt  }
0x72: {  	_ =	shalt  }
0x73: {  	_ =	shalt  }
0x74: {  	_ =	shalt  }
0x75: {  	_ =	shalt  }
0x76: {  	_ =	shalt  }
0x77: {  	_ =	shalt  }
0x78: {  	_ =	shalt  }
0x79: {  	_ =	shalt  }
0x7a: {  	_ =	shalt  }
0x7b: {  	_ =	shalt  }
0x7c: {  	_ =	shalt  }
0x7d: {  	_ =	shalt  }
0x7e: {  	_ =	shalt  }
0x7f: {  	_ =	shalt  }
0x80: {  	_ =	shalt  }
0x81: {  	_ =	shalt  }
0x82: {  	_ =	shalt  }
0x83: {  	_ =	shalt  }
0x84: {  	_ =	shalt  }
0x85: {  	_ =	shalt  }
0x86: {  	_ =	shalt  }
0x87: {  	_ =	shalt  }
.Lfunc_end0:
.L_simem_size_0:
called_computation.1_lowered:
.L_overlay_start_0:
0x88: {  	s2 =	sld [smem:$0x3FD9]  }
0x89: {  	s3 =	sld [smem:$0x3FFE];
	_ =	sdelay $0x1  }
0x8a: {  	s1 =	srdreg.scid  }
0x8b: {  	s0 =	sand.u32 $0x1, s1  }
0x8c: {  	s14 =	sshll.u32 s0, $0xA;
	s2 =	sadd.s32 s3, s2  }
0x8d: {  	s2 =	sadd.s32 s2, s14  }
0x8e: {  	[smem:$0x3FBE] =	sst s2  }
0x8f: {  	_ = 	snop  }
0x90: {  	s2 =	sld [smem:$0x3FD0];
	_ =	sdelay $0x2  }
0x91: {  	s15 =	simm.s32 $0xA;
	s4 =	simm.s32 $0x10  }
0x92: {  	[smem:s4], [sflag:s15] =	dma.local [hbm:s2], $0x1  }
0x93: {  	_ =	swait.eq [sflag:s15], $0x1  }
0x94: {  	[sflag:s15] =	ssyncset.done $0x0  }
0x95: {  	[sflag:s15] =	ssyncadd.s32 $0xFFFFFFFF  }
0x96: {  	s16 =	sld [smem:$0x10];
	(tm) =	ssettm $0x1  }
0x97: {  	s17 =	sld [smem:$0x3FFB];
	_ =	sdelay $0x3  }
0x98: {  	_ =	strace s17  }
0x99: {  	s3 =	sld [smem:$0x3FFC];
	_ =	sdelay $0x3  }
0x9a: {  	_ =	strace s3  }
0x9b: {  	s3 =	sld [smem:$0x3FFD];
	_ =	sdelay $0x3  }
0x9c: {  	_ =	strace s3  }
0x9d: {  	_ =	strace $0x8FFFFFFF  }
0x9e: {  	s18 =	sld [smem:$0x3FDB];
	_ =	sdelay $0x1  }
0x9f: {  	s19 =	simm.s32 $_scs_section_size  }
0xa0: {  	s5 =	simm.s32 $_size__tile_overlayer_lowered;
	s6 =	simm.s32 $_tile_overlayer_lowered  }
0xa1: {  	s22 =	simm.s32 $0x1BFF;
	s21 =	sshll.u32 s6, $0x1;
	s3 =	sadd.s32 s19, s18  }
0xa2: {  	s7 =	simm.s32 $0x0;
	s20 =	sshll.u32 s5, $0x1;
	s5 =	sadd.s32 s21, s3  }
0xa3: {  	[timem:s7], [sflag:s22] =	dma.local [hbm:s5], s20  }
0xa4: {  	_ =	swait.ge [sflag:s22], s20  }
0xa5: {  	s4 =	ssub.s32 $0x0, s20;
	[sflag:s22] =	ssyncset.done $0x0  }
0xa6: {  	[sflag:s22] =	ssyncadd.s32 s4;
	_ =	sdelay $0x1  }
0xa7: {  	s23 =	simm.s32 $0x1B8B  }
0xa8: {  	_ =	swait.ge [sflag:s23], $0x1  }
0xa9: {  	[sflag:s23] =	ssyncset.done $0x0  }
0xaa: {  	s25 =	simm.s32 $0x1B8E;
	s24 =	sld [smem:$0x3FFE];
	[sflag:s23] =	ssyncadd.s32 $0xFFFFFFFF  }
0xab: {  	s26 =	simm.s32 $execute0_lowered;
	[smem:$0x3FD2] =	sst s25  }
0xac: {  	s5 =	sshll.u32 s26, $0x1;
	_ =	strace $0x80000049;
	[dreg:$0x1] =	wrdreg $0xFFFFFFFF  }
0xad: {  	s28 =	simm.s32 $_size_execute0_lowered;
	s3 =	sadd.s32 s3, s5;
	[dreg:$0x0] =	wrdreg $0x0  }
0xae: {  	s5 =	sshll.u32 s28, $0x1;
	[dreg:$0x2] =	wrdreg s3  }
0xaf: {  	[dreg:$0x3] =	wrdreg s5  }
0xb0: {  	[dreg:$0x4] =	wrdreg $0xC0  }
0xb1: {  	_ =	task [dreg:s7], $0x5FFFF  }
0xb2: {  	[dreg:$0x1] =	wrdreg $0xFFFFFFFF  }
0xb3: {  	[dreg:$0x0] =	wrdreg $0x60  }
0xb4: {  	[dreg:$0x2] =	wrdreg s24  }
0xb5: {  	[dreg:$0x3] =	wrdreg s16  }
0xb6: {  	[dreg:$0x4] =	wrdreg $0xA0000  }
0xb7: {  	[dreg:$0x5] =	wrdreg $0x9  }
0xb8: {  	_ =	task.clear_ibuf [dreg:s7], $0x6FFFF;
	_ =	strace $0x90000049  }
0xb9: {  	s29 =	simm.s32 $0x9;
	_ =	strace $0x8000004B  }
0xba: {  	_ =	swait.ge [sflag:s29], $0x1  }
0xbb: {  	[sflag:s29] =	ssyncadd.s32 $0xFFFFFFFF  }
0xbc: {  	_ =	strace $0x9000004B  }
0xbd: {  	_ =	sfence  }
0xbe: {  	s30 =	sld [smem:$0x0];
	_ =	sdelay $0x2  }
0xbf: {  	s31 =	sshll.u32 s1, $0xD;
	s1 =	sshrl.u32 s1, $0x2  }
0xc0: {  	s3 =	sand.u32 $0x4000, s31;
	s1 =	sadd.s32 s1, s30  }
0xc1: {  	s0 =	sor.u32 s3, s0;
	s1 =	sshll.u32 s1, $0x11  }
0xc2: {  	s0 =	sor.u32 s1, s0  }
0xc3: {  	s0 =	sadd.s32 $0x8F2B, s0  }
0xc4: {  	[sflag:s0] =	ssyncadd.remote.s32 $0x1  }
0xc5: {  	_ =	sfence.sel $0xFFFF  }
0xc6: {  	[dreg:$0x0] =	wrdreg $0xFFFFFFFF;
	(pc) =	sbr.abs _section_cstart, $3  }
0xc7: {  	[dreg:$0x1] =	wrdreg $0xFFFFFFFF  }
0xc8: {  	_ =	task.clear_ibuf [dreg:s7], $0x2FFFF;
	_ =	strace $0x9FFFFFFF  }
0xc9: {  	(tm) =	ssettm $0x7FFFFFFF  }
tec
execute0_lowered:
.L_overlay_start_1:
0x0: {  	(tag) =	ssettag $0x1  }
0x1: {  	s0 =	rddreg [dreg:$0x0]  }
0x2: {  	s1 =	rddreg [dreg:$0x1]  }
0x3: {  	s2 =	rddreg [dreg:$0x2];
	s3 =	srdreg.scid  }
0x4: {  	s4 =	simm.s32 $0x0;
	s12 =	stileid.u32;
	s15 =	simm.s32 $0x4  }
0x5: {  	s16 =	simm.s32 $0x1000;
	s17 =	simm.s32 $0x80;
	s8 =	smul.u32 $0x280, s12  }
0x6: {  	s18 =	simm.s32 $0x2000;
	s19 =	simm.s32 $0x6000;
	s30 =	smul.u32 $0x50000, s12  }
0x7: {  	s20 =	simm.s32 $0x0;
	s3 =	sand.u32 $0x1, s3;
	s10 =	smul.u32 $0xA0, s12  }
0x8: {  	[smem:$0x7FF] =	sst s4;
	s5 =	sadd.s32 $0x7B800, s0;
	s7 =	smul.u32 $0x2800, s3  }
0x9: {  	s6 =	sadd.s32 $0xCB800, s0;
	s9 =	smul.u32 $0xA00, s3;
	s3 =	ssub.s32 $0x2, s3  }
0xa: {  	s31 =	sshll.u32 s12, $0x6;
	_ =	strace $0x8000004A;
	s11 =	sshrl.u32 s3, $0x1  }
0xb: {  	s7 =	sadd.s32 s8, s7;
	s8 =	sshrl.u32 s30, $0x2;
	s3 =	ssub.s32 s3, s11  }
0xc: {  	s9 =	sadd.s32 s10, s9;
	s7 =	sshll.u32 s7, $0x4;
	s14 =	sadd.s32 s8, s2  }
0xd: {  	s8 =	sshll.u32 s9, $0x4;
	s9 =	sor.u32 $0x1C04, s31;
	s13 =	smax.u32 s3, $0x1  }
0xe: {  	s0 =	sadd.s32 s7, s0;
	s7 =	sadd.s32 s5, s7;
	s10 =	sadd.s32 s6, s8  }
0xf: {  	s11 =	sadd.s32 s1, s8;
	s14 =	sshrl.u32 s14, $0x3;
	s12 =	sadd.s32 $0xDF800, s0  }
.LBB2_1:
0x10: {  	[spmem:s14], [sflag:s9] =	dma.local [hbm:s7], $0x2800  }
0x11: {  	_ =	swait.ge [sflag:s15], $0x2800  }
0x12: {  	[sflag:s15] =	ssyncset.done $0x0  }
0x13: {  	[sflag:s15] =	ssyncadd.s32 $0xFFFFD800  }
0x14: {  	[tilespmem:s4], [sflag:$0x4] =	stream.linear.gather [hbm4b:s10+s4], $0x800, $0x38;
	[tilespmem:$0x1E000] =	vst v63  }
0x15: {  	_ =	swait.ge [sflag:s15], $0x800  }
0x16: {  	p0 =	por $0x0, $0x0;
	[sflag:s15] =	ssyncset.done $0x0  }
0x17: {  	s0 =	sand.u32 $0xF, s4;
	s3 =	simm.s32 $0x400;
	[sflag:s15] =	ssyncadd.s32 $0xFFFFF800  }
0x18: {  	[tilespmem:s16], [sflag:$0x4] =	stream.linear.gather [hbm4b:s11+s4], $0x800, $0x38;
	[tilespmem:$0x1E000] =	vst v63  }
0x19: {  	s21 =	simm.s32 $0x1;
	p1 =	por $0x0, $0x0;
	_ =	swait.ge [sflag:s15], $0x800  }
0x1a: {  	s22 =	simm.s32 $0x0;
	s29 =	sand.u32 $0x1, s4;
	[sflag:s15] =	ssyncset.done $0x0  }
0x1b: {  	p3 =	por $0x0, $0x0;
	p2 =	sne.s32 @!p0 s0, $0x0;
	[sflag:s15] =	ssyncadd.s32 $0xFFFFF800  }
0x1c: {  	s26 =	sshll.u32 s0, $0x7;
	p2 =	por p2, p0;
	[bflag:$0x0] =	sbarrier.arrive $0xFFFF  }
0x1d: {  	[tilespmem:s18], [sflag:$0x1] =	stream.indirect.gather [hbm4b:s5+s17], $0x80, s4, s17, $0xb8;
	[tilespmem:$0x1E000] =	vst v63  }
0x1e: {  	p0 =	sne.s32 @!p1 s0, $0xE;
	s23 =	simm.s32 @!p2 $0x800;
	s0 =	sadd.s32 @!p2 $0x100, s8  }
0x1f: {  	[tilespmem:s19], [sflag:$0x2] =	stream.indirect.gather [hbm4b:s5+s17], $0x80, s17, s17, $0xb8;
	[tilespmem:$0x1E000] =	vst v63  }
0x20: {  	s28 =	simm.s32 @!p2 $0x0;
	s23 =	sand.u32 @!p2 $0x800, s23;
	s24 =	sadd.s32 @!p2 s6, s0  }
0x21: {  	[tilespmem:s23], [sflag:$0x3] =	stream.linear.gather @!p2 [hbm4b:s24+s28], $0x800, $0x38;
	[tilespmem:$0x1E000] =	vst v63  }
0x22: {  	s30 =	simm.s32 $0x0;
	s0 =	sadd.s32 @!p2 s1, s0;
	s25 =	sor.u32 @!p2 $0x1000, s23  }
0x23: {  	[tilespmem:s25], [sflag:$0x3] =	stream.linear.gather @!p2 [hbm4b:s0+s28], $0x800, $0x38;
	[tilespmem:$0x1E000] =	vst v63  }
0x24: {  	s22 =	sand.u32 $0x800, s22;
	s3 =	sand.u32 @!p1 $0x3E00, s3;
	s25 =	sadd.s32 $0x1, s29  }
0x25: {  	s31 =	sand.u32 $0xF, s21;
	s26 =	sor.u32 s26, s22;
	_ =	swait.ge [sflag:s25], $0x4000  }
0x26: {  	s23 =	sshrl.u32 @!p1 s3, $0x2;
	s0 =	sshll.u32 s29, $0xE;
	[sflag:s25] =	ssyncset.done $0x0  }
0x27: {  	s3 =	sor.u32 $0x1000, s26;
	s26 =	sor.u32 $0x2000, s0;
	[sflag:s25] =	ssyncadd.s32 $0xFFFFC000  }
0x28: {  	[spmem:s2] =	stream.indirect.scatter.add.f32 [tilespmem:s26], [sflag:$0x4], $0x80, s3, s17, $0xb8;
	[tilespmem:$0x1E000] =	vst v63  }
0x29: {  	s30 =	sand.u32 $0x800, s30;
	p1 =	por p1, p1;
	_ =	swait.ge [sflag:s15], $0x4000  }
0x2a: {  	s22 =	simm.s32 $0x600;
	p2 =	por p0, p1;
	[sflag:s15] =	ssyncset.done $0x0  }
0x2b: {  	p4 =	sne.s32 @!p3 s31, $0x0;
	s0 =	simm.s32 @!p2 $0x3;
	[sflag:s15] =	ssyncadd.s32 $0xFFFFC000  }
0x2c: {  	p3 =	por p4, p3;
	s24 =	simm.s32 $0x2;
	_ =	swait.ge @!p2 [sflag:s0], $0x800  }
0x2d: {  	s29 =	simm.s32 @!p1 $0x80;
	p0 =	por $0x0, $0x0;
	[sflag:s0] =	ssyncset.done @!p2 $0x0  }
0x2e: {  	s28 =	sshll.u32 s31, $0x7;
	s3 =	simm.s32 $0x0;
	[sflag:s0] =	ssyncadd.s32 @!p2 $0xFFFFF800  }
.LBB2_2:
0x2f: {  	s3 =	sadd.s32 @!p3 $0x1, s3;
	p4 =	sne.s32 @!p0 s31, $0xE;
	_ =	swait.ge @!p2 [sflag:s0], $0x800  }
0x30: {  	s31 =	sshll.u32 @!p3 s3, $0x8;
	s3 =	sshll.u32 @!p3 s3, $0xB;
	[sflag:s0] =	ssyncset.done @!p2 $0x0  }
0x31: {  	s31 =	sadd.s32 @!p3 s8, s31;
	s3 =	sand.u32 @!p3 $0x800, s3;
	[sflag:s0] =	ssyncadd.s32 @!p2 $0xFFFFF800  }
0x32: {  	[tilespmem:s26], [sflag:s25] =	stream.indirect.gather @!p1 [hbm4b:s5+s29], $0x80, s23, s29, $0xb8;
	[tilespmem:$0x1E000] =	vst v63  }
0x33: {  	s0 =	sadd.s32 @!p3 s6, s31;
	s25 =	sor.u32 @!p3 $0x1000, s3;
	s23 =	sand.u32 @!p0 $0x3E00, s22  }
0x34: {  	s26 =	simm.s32 @!p3 $0x0;
	s29 =	sadd.s32 @!p3 s1, s31;
	s23 =	sshrl.u32 @!p0 s23, $0x2  }
0x35: {  	[tilespmem:s3], [sflag:$0x3] =	stream.linear.gather @!p3 [hbm4b:s0+s26], $0x800, $0x38;
	[tilespmem:$0x1E000] =	vst v63  }
0x36: {  	s0 =	sand.u32 $0x1, s21;
	s21 =	smov.u32 s24;
	s24 =	sadd.s32 $0x1, s24  }
0x37: {  	[tilespmem:s25], [sflag:$0x3] =	stream.linear.gather @!p3 [hbm4b:s29+s26], $0x800, $0x38;
	[tilespmem:$0x1E000] =	vst v63  }
0x38: {  	p5 =	sne.s32 s24, $0xA0;
	s25 =	sadd.s32 $0x1, s0;
	s0 =	sshll.u32 s0, $0xE  }
0x39: {  	p1 =	por p0, p0;
	s3 =	sor.u32 s28, s30;
	_ =	swait.ge [sflag:s25], $0x4000  }
0x3a: {  	s22 =	sadd.s32 $0x200, s22;
	s3 =	sor.u32 $0x1000, s3;
	[sflag:s25] =	ssyncset.done $0x0  }
0x3b: {  	s29 =	simm.s32 @!p1 $0x80;
	s26 =	sor.u32 $0x2000, s0;
	[sflag:s25] =	ssyncadd.s32 $0xFFFFC000  }
0x3c: {  	[spmem:s2] =	stream.indirect.scatter.add.f32 [tilespmem:s26], [sflag:$0x4], $0x80, s3, s17, $0xb8;
	[tilespmem:$0x1E000] =	vst v63  }
0x3d: {  	p2 =	por p4, p1;
	p0 =	sgt.u32 s21, $0x9D;
	_ =	swait.ge [sflag:s15], $0x4000  }
.Ltmp0:
0x3e: {  	s0 =	simm.s32 @!p2 $0x3;
	[sflag:s15] =	ssyncset.done $0x0;
	(pc) =	sbr.rel @p5 .LBB2_2-.Ltmp0, $4  }
0x3f: {  	p3 =	sgt.u32 s21, $0x8F;
	s3 =	sshrl.u32 s21, $0x4;
	[sflag:s15] =	ssyncadd.s32 $0xFFFFC000  }
0x40: {  	s31 =	sand.u32 $0xF, s21;
	s30 =	sshll.u32 s3, $0xB;
	_ =	swait.ge @!p2 [sflag:s0], $0x800  }
0x41: {  	s28 =	sshll.u32 s31, $0x7;
	p4 =	sne.s32 @!p3 s31, $0x0;
	[sflag:s0] =	ssyncset.done @!p2 $0x0  }
0x42: {  	p3 =	por p4, p3;
	s30 =	sand.u32 $0x800, s30;
	[sflag:s0] =	ssyncadd.s32 @!p2 $0xFFFFF800  }
0x43: {  	s3 =	sadd.s32 @!p3 $0x1, s3;
	_ =	swait.ge @!p2 [sflag:s0], $0x800  }
0x44: {  	s24 =	sshll.u32 @!p3 s3, $0x8;
	[sflag:s0] =	ssyncset.done @!p2 $0x0  }
0x45: {  	[sflag:s0] =	ssyncadd.s32 @!p2 $0xFFFFF800;
	s0 =	sshll.u32 @!p3 s3, $0xB;
	s3 =	sadd.s32 @!p3 s8, s24  }
0x46: {  	[tilespmem:s26], [sflag:s25] =	stream.indirect.gather @!p1 [hbm4b:s5+s29], $0x80, s23, s29, $0xb8;
	[tilespmem:$0x1E000] =	vst v63  }
0x47: {  	s24 =	simm.s32 @!p3 $0x0;
	s0 =	sand.u32 @!p3 $0x800, s0;
	s23 =	sadd.s32 @!p3 s6, s3  }
0x48: {  	[tilespmem:s0], [sflag:$0x3] =	stream.linear.gather @!p3 [hbm4b:s23+s24], $0x800, $0x38;
	[tilespmem:$0x1E000] =	vst v63  }
0x49: {  	s21 =	sand.u32 $0x1, s21;
	s3 =	sadd.s32 @!p3 s1, s3;
	s0 =	sor.u32 @!p3 $0x1000, s0  }
0x4a: {  	[tilespmem:s0], [sflag:$0x3] =	stream.linear.gather @!p3 [hbm4b:s3+s24], $0x800, $0x38;
	[tilespmem:$0x1E000] =	vst v63  }
0x4b: {  	s0 =	sadd.s32 $0x1, s21  }
0x4c: {  	_ =	swait.ge [sflag:s0], $0x4000  }
0x4d: {  	s30 =	sor.u32 s28, s30;
	s29 =	sshll.u32 s21, $0xE;
	[sflag:s0] =	ssyncset.done $0x0  }
0x4e: {  	s21 =	sor.u32 $0x1000, s30;
	s3 =	sor.u32 $0x2000, s29;
	[sflag:s0] =	ssyncadd.s32 $0xFFFFC000  }
0x4f: {  	[spmem:s2] =	stream.indirect.scatter.add.f32 [tilespmem:s3], [sflag:$0x4], $0x80, s21, s17, $0xb8;
	[tilespmem:$0x1E000] =	vst v63  }
0x50: {  	p2 =	sne.s32 @!p0 s31, $0xE;
	p1 =	por p0, p0;
	_ =	swait.ge [sflag:s15], $0x4000  }
0x51: {  	p2 =	por p2, p1;
	[sflag:s15] =	ssyncset.done $0x0  }
0x52: {  	s21 =	simm.s32 @!p2 $0x3;
	[sflag:s15] =	ssyncadd.s32 $0xFFFFC000  }
0x53: {  	_ =	swait.ge @!p2 [sflag:s21], $0x800  }
0x54: {  	[sflag:s21] =	ssyncset.done @!p2 $0x0  }
0x55: {  	[sflag:s21] =	ssyncadd.s32 @!p2 $0xFFFFF800  }
0x56: {  	s22 =	sand.u32 @!p0 $0x3E00, s22;
	_ =	swait.ge @!p2 [sflag:s21], $0x800  }
0x57: {  	s20 =	sadd.s32 $0x1, s20;
	s22 =	sshrl.u32 @!p0 s22, $0x2;
	[sflag:s21] =	ssyncset.done @!p2 $0x0  }
0x58: {  	p0 =	sne.s32 s20, s13;
	s23 =	simm.s32 @!p1 $0x80;
	[sflag:s21] =	ssyncadd.s32 @!p2 $0xFFFFF800  }
0x59: {  	[tilespmem:s3], [sflag:s0] =	stream.indirect.gather @!p1 [hbm4b:s5+s23], $0x80, s22, s23, $0xb8;
	[tilespmem:$0x1E000] =	vst v63  }
.Ltmp1:
0x5a: {  	[bflag:$0x0] =	sbarrier.arrive $0xFFFF;
	(pc) =	sbr.rel @p0 .LBB2_1-.Ltmp1, $4  }
0x5b: {  	[hbm:s12], [sflag:s9] =	dma.local [spmem:s14], $0x2800  }
0x5c: {  	_ =	swait.ge [sflag:s15], $0x2800  }
0x5d: {  	[sflag:s15] =	ssyncset.done $0x0  }
0x5e: {  	[sflag:s15] =	ssyncadd.s32 $0xFFFFD800  }
0x5f: {  	_ =	sfence.sel $0x180000  }
0x60: {  	[bflag:$0x0] =	sbarrier.arrive $0xFFFF  }
0x61: {  	_ =	strace $0x9000004A  }
0x62: {  	s0 =	stileid.u32;
	[bflag:$0x2] =	sbarrier.arrive $0xFFFF  }
0x63: {  	p0 =	sne.s32 s0, $0x0;
	s0 =	rddreg [dreg:$0x3]  }
0x64: {  	s0 =	sadd.s32 @!p0 $0x100000, s0  }
0x65: {  	[sflag:s0] =	ssyncadd.tile.s32 @!p0 $0x1;
	_ =	shalt  }
.Lfunc_end2:
_tile_overlayer_lowered:
.L_overlay_start_2:
0x66: {  	(tag) =	ssettag $0x2  }
0x67: {  	s0 =	rddreg [dreg:$0x0];
	s2 =	stileid.u32  }
0x68: {  	s1 =	rddreg [dreg:$0x1];
	p0 =	sne.s32 s2, $0x0  }
0x69: {  	s3 =	rddreg [dreg:$0x2];
	[bflag:$0x3] =	sbarrier.arrive $0xFFFF;
	s2 =	simm.s32 @!p0 $0x1C04  }
0x6a: {  	[timem:s3], [sflag:s2] =	dma.local @!p0 [hbm:s0], s1  }
0x6b: {  	s0 =	simm.s32 @!p0 $0x4  }
0x6c: {  	_ =	swait.ge @!p0 [sflag:s0], s1  }
0x6d: {  	s1 =	ssub.s32 @!p0 $0x0, s1;
	[sflag:s0] =	ssyncset.done @!p0 $0x0  }
0x6e: {  	[sflag:s0] =	ssyncadd.s32 @!p0 s1  }
0x6f: {  	[bflag:$0x3] =	sbarrier.arrive $0xFFFF  }
0x70: {  	_ =	shalt  }

// kernel: kernel.15.cloned.1.call-start
scs
__scs_entry_jumppad:
0x0: {  	(pc) =	sbr.rel $0x88, $3  }
0x1: {  	(tag) =	ssettag $0x0;
	lr =	simm.s32 $0x1  }
0x2: {  	[smem:$0x3F97] =	sst lr;
	_ =	strace $0xD0000000  }
0x3: {  	_ = 	snop  }
0x4: {  	_ = 	snop  }
0x5: {  	_ = 	snop  }
0x6: {  	_ = 	snop  }
0x7: {  	_ = 	snop  }
__scs_overlays_trampoline_lowered:
0x8: {  	[smem:$0x3FA6] =	sst s0  }
0x9: {  	[smem:$0x3FA7] =	sst s1  }
0xa: {  	[smem:$0x3FA8] =	sst s2  }
0xb: {  	[smem:$0x3FA9] =	sst s3  }
0xc: {  	[smem:$0x3FAA] =	sst s4  }
0xd: {  	[smem:$0x3FAB] =	sst s5  }
0xe: {  	[smem:$0x3FAC] =	sst s6  }
0xf: {  	[smem:$0x3FAD] =	sst s7  }
0x10: {  	[smem:$0x3FAE] =	sst s8  }
0x11: {  	[smem:$0x3FAF] =	sst s9;
	s0 =	simm.s32 @!p0 $0x0  }
0x12: {  	s1 =	sld [smem:$0x3F95];
	s0 =	simm.s32 @p0 $0x1  }
0x13: {  	[smem:$0x3FB0] =	sst s0;
	s0 =	simm.s32 @!p1 $0x0  }
0x14: {  	s2 =	sld [smem:$0x3F94];
	s0 =	simm.s32 @p1 $0x1  }
0x15: {  	[smem:$0x3FB1] =	sst s0;
	s0 =	simm.s32 @!p2 $0x0  }
0x16: {  	s3 =	sld [smem:$0x3FDB];
	s0 =	simm.s32 @p2 $0x1  }
0x17: {  	s4 =	simm.s32 $0x1BF5;
	[smem:$0x3FB3] =	sst s0  }
0x18: {  	s0 =	sld [smem:$0x3F96];
	_ =	swait.ge [sflag:s4], $0x0  }
0x19: {  	s7 =	sld [smem:$0x3F97]  }
0x1a: {  	s8 =	sadd.s32 $0xFFFFE003, lr  }
0x1b: {  	s9 =	sadd.s32 $0xFFFFFEF7, lr;
	s5 =	simm.s32 $0xFFFFFFFF;
	p2 =	slt.u32 s8, $0xFFFFF086  }
0x1c: {  	p1 =	slt.u32 s9, $0xF7A;
	s5 =	simm.s32 @!p2 $0x0  }
0x1d: {  	s5 =	simm.s32 @p1 $0x1;
	p0 =	seq.s32 s7, s2  }
0x1e: {  	s7 =	smul.u32 @!p0 $0xF7A, s2;
	p2 =	seq.s32 @!p0 s5, $0x0  }
0x1f: {  	s9 =	smul.u32 $0xF7A, s1;
	s8 =	simm.s32 @!p0 $0x1BF5;
	p2 =	por !p2, p0  }
0x20: {  	[sflag:s8] =	ssyncset.s32 @!p0 $0xFFFFF086;
	s6 =	sadd.s32 @!p0 s3, s7;
	s7 =	simm.s32 @!p0 $0x108  }
0x21: {  	s3 =	sadd.s32 s3, s9;
	s6 =	sadd.s32 @!p0 $0x88, s6;
	s7 =	simm.s32 @p2 $0x1082  }
0x22: {  	[simem:s7], [sflag:s8] =	dma.local @!p0 [hbm:s6], $0xF7A  }
0x23: {  	s9 =	sor.u32 $0xD0000000, s2;
	s6 =	simm.s32 $0x108;
	_ =	swait.ge @!p0 [sflag:s8], $0x0  }
0x24: {  	s3 =	sadd.s32 $0x88, s3;
	s6 =	simm.s32 @!p1 $0x1082;
	[sflag:s4] =	ssyncset.s32 $0xFFFFF086  }
0x25: {  	[simem:s6], [sflag:s4] =	dma.local [hbm:s3], $0xF7A  }
0x26: {  	[smem:$0x3F97] =	sst s1;
	(tag) =	ssettag s2;
	_ =	strace s9  }
0x27: {  	s1 =	sld [smem:$0x3FA7]  }
0x28: {  	s2 =	sld [smem:$0x3FA8]  }
0x29: {  	s4 =	sld [smem:$0x3FAA]  }
0x2a: {  	p0 =	seq.s32 s5, $0x0;
	s5 =	sld [smem:$0x3FAB]  }
0x2b: {  	s6 =	sld [smem:$0x3FAC]  }
0x2c: {  	s7 =	sld [smem:$0x3FAD]  }
0x2d: {  	s3 =	simm.s32 $0x108;
	s8 =	sld [smem:$0x3FAE]  }
0x2e: {  	s3 =	simm.s32 @!p0 $0x1082;
	s9 =	sld [smem:$0x3FAF]  }
0x2f: {  	lr =	sadd.s32 s0, s3;
	s0 =	sld [smem:$0x3FA6]  }
0x30: {  	s3 =	sld [smem:$0x3FA9]  }
0x31: {  	[smem:$0x3FB2] =	sst s10  }
0x32: {  	s10 =	sld [smem:$0x3FB0];
	_ =	sdelay $0x3  }
0x33: {  	p0 =	seq.s32 s10, $0x1;
	s10 =	sld [smem:$0x3FB2];
	_ =	sdelay $0x3  }
0x34: {  	[smem:$0x3FB2] =	sst s10  }
0x35: {  	s10 =	sld [smem:$0x3FB1];
	_ =	sdelay $0x3  }
0x36: {  	p1 =	seq.s32 s10, $0x1;
	s10 =	sld [smem:$0x3FB2];
	_ =	sdelay $0x3  }
0x37: {  	[smem:$0x3FB2] =	sst s10  }
0x38: {  	s10 =	sld [smem:$0x3FB3]  }
0x39: {  	_ = 	snop;
	(pc) =	sbr.ind lr, $3  }
0x3a: {  	_ = 	snop  }
0x3b: {  	_ = 	snop  }
0x3c: {  	p2 =	seq.s32 s10, $0x1;
	s10 =	sld [smem:$0x3FB2]  }
0x3d: {  	_ =	shalt  }
0x3e: {  	_ =	shalt  }
0x3f: {  	_ =	shalt  }
0x40: {  	_ =	shalt  }
0x41: {  	_ =	shalt  }
0x42: {  	_ =	shalt  }
0x43: {  	_ =	shalt  }
0x44: {  	_ =	shalt  }
0x45: {  	_ =	shalt  }
0x46: {  	_ =	shalt  }
0x47: {  	_ =	shalt  }
0x48: {  	_ =	shalt  }
0x49: {  	_ =	shalt  }
0x4a: {  	_ =	shalt  }
0x4b: {  	_ =	shalt  }
0x4c: {  	_ =	shalt  }
0x4d: {  	_ =	shalt  }
0x4e: {  	_ =	shalt  }
0x4f: {  	_ =	shalt  }
0x50: {  	_ =	shalt  }
0x51: {  	_ =	shalt  }
0x52: {  	_ =	shalt  }
0x53: {  	_ =	shalt  }
0x54: {  	_ =	shalt  }
0x55: {  	_ =	shalt  }
0x56: {  	_ =	shalt  }
0x57: {  	_ =	shalt  }
0x58: {  	_ =	shalt  }
0x59: {  	_ =	shalt  }
0x5a: {  	_ =	shalt  }
0x5b: {  	_ =	shalt  }
0x5c: {  	_ =	shalt  }
0x5d: {  	_ =	shalt  }
0x5e: {  	_ =	shalt  }
0x5f: {  	_ =	shalt  }
0x60: {  	_ =	shalt  }
0x61: {  	_ =	shalt  }
0x62: {  	_ =	shalt  }
0x63: {  	_ =	shalt  }
0x64: {  	_ =	shalt  }
0x65: {  	_ =	shalt  }
0x66: {  	_ =	shalt  }
0x67: {  	_ =	shalt  }
0x68: {  	_ =	shalt  }
0x69: {  	_ =	shalt  }
0x6a: {  	_ =	shalt  }
0x6b: {  	_ =	shalt  }
0x6c: {  	_ =	shalt  }
0x6d: {  	_ =	shalt  }
0x6e: {  	_ =	shalt  }
0x6f: {  	_ =	shalt  }
0x70: {  	_ =	shalt  }
0x71: {  	_ =	shalt  }
0x72: {  	_ =	shalt  }
0x73: {  	_ =	shalt  }
0x74: {  	_ =	shalt  }
0x75: {  	_ =	shalt  }
0x76: {  	_ =	shalt  }
0x77: {  	_ =	shalt  }
0x78: {  	_ =	shalt  }
0x79: {  	_ =	shalt  }
0x7a: {  	_ =	shalt  }
0x7b: {  	_ =	shalt  }
0x7c: {  	_ =	shalt  }
0x7d: {  	_ =	shalt  }
0x7e: {  	_ =	shalt  }
0x7f: {  	_ =	shalt  }
0x80: {  	_ =	shalt  }
0x81: {  	_ =	shalt  }
0x82: {  	_ =	shalt  }
0x83: {  	_ =	shalt  }
0x84: {  	_ =	shalt  }
0x85: {  	_ =	shalt  }
0x86: {  	_ =	shalt  }
0x87: {  	_ =	shalt  }
.Lfunc_end0:
.L_simem_size_0:
called_computation.2_lowered:
.L_overlay_start_0:
0x88: {  	s2 =	sld [smem:$0x3FD9]  }
0x89: {  	s3 =	sld [smem:$0x3FFE];
	_ =	sdelay $0x1  }
0x8a: {  	s1 =	srdreg.scid  }
0x8b: {  	s0 =	sand.u32 $0x1, s1  }
0x8c: {  	s14 =	sshll.u32 s0, $0xA;
	s2 =	sadd.s32 s3, s2  }
0x8d: {  	s2 =	sadd.s32 s2, s14  }
0x8e: {  	[smem:$0x3FBE] =	sst s2  }
0x8f: {  	_ = 	snop  }
0x90: {  	s2 =	sld [smem:$0x3FD0];
	_ =	sdelay $0x2  }
0x91: {  	s15 =	simm.s32 $0xA;
	s4 =	simm.s32 $0x10  }
0x92: {  	[smem:s4], [sflag:s15] =	dma.local [hbm:s2], $0x1  }
0x93: {  	_ =	swait.eq [sflag:s15], $0x1  }
0x94: {  	[sflag:s15] =	ssyncset.done $0x0  }
0x95: {  	[sflag:s15] =	ssyncadd.s32 $0xFFFFFFFF  }
0x96: {  	s16 =	sld [smem:$0x10];
	(tm) =	ssettm $0x1  }
0x97: {  	s17 =	sld [smem:$0x3FFB];
	_ =	sdelay $0x3  }
0x98: {  	_ =	strace s17  }
0x99: {  	s3 =	sld [smem:$0x3FFC];
	_ =	sdelay $0x3  }
0x9a: {  	_ =	strace s3  }
0x9b: {  	s3 =	sld [smem:$0x3FFD];
	_ =	sdelay $0x3  }
0x9c: {  	_ =	strace s3  }
0x9d: {  	_ =	strace $0x8FFFFFFF  }
0x9e: {  	s18 =	sld [smem:$0x3FDB];
	_ =	sdelay $0x1  }
0x9f: {  	s19 =	simm.s32 $_scs_section_size  }
0xa0: {  	s5 =	simm.s32 $_size__tile_overlayer_lowered;
	s6 =	simm.s32 $_tile_overlayer_lowered  }
0xa1: {  	s22 =	simm.s32 $0x1BFF;
	s21 =	sshll.u32 s6, $0x1;
	s3 =	sadd.s32 s19, s18  }
0xa2: {  	s7 =	simm.s32 $0x0;
	s20 =	sshll.u32 s5, $0x1;
	s5 =	sadd.s32 s21, s3  }
0xa3: {  	[timem:s7], [sflag:s22] =	dma.local [hbm:s5], s20  }
0xa4: {  	_ =	swait.ge [sflag:s22], s20  }
0xa5: {  	s4 =	ssub.s32 $0x0, s20;
	[sflag:s22] =	ssyncset.done $0x0  }
0xa6: {  	[sflag:s22] =	ssyncadd.s32 s4;
	_ =	sdelay $0x1  }
0xa7: {  	s23 =	simm.s32 $0x1B8B  }
0xa8: {  	_ =	swait.ge [sflag:s23], $0x1  }
0xa9: {  	[sflag:s23] =	ssyncset.done $0x0  }
0xaa: {  	s25 =	simm.s32 $0x1B8E;
	s24 =	sld [smem:$0x3FFE];
	[sflag:s23] =	ssyncadd.s32 $0xFFFFFFFF  }
0xab: {  	s26 =	simm.s32 $execute0_lowered;
	[smem:$0x3FD2] =	sst s25  }
0xac: {  	s5 =	sshll.u32 s26, $0x1;
	_ =	strace $0x8000004C;
	[dreg:$0x1] =	wrdreg $0xFFFFFFFF  }
0xad: {  	s28 =	simm.s32 $_size_execute0_lowered;
	s3 =	sadd.s32 s3, s5;
	[dreg:$0x0] =	wrdreg $0x0  }
0xae: {  	s5 =	sshll.u32 s28, $0x1;
	[dreg:$0x2] =	wrdreg s3  }
0xaf: {  	[dreg:$0x3] =	wrdreg s5  }
0xb0: {  	[dreg:$0x4] =	wrdreg $0xC0  }
0xb1: {  	_ =	task [dreg:s7], $0x5FFFF  }
0xb2: {  	[dreg:$0x1] =	wrdreg $0xFFFFFFFF  }
0xb3: {  	[dreg:$0x0] =	wrdreg $0x60  }
0xb4: {  	[dreg:$0x2] =	wrdreg s24  }
0xb5: {  	[dreg:$0x3] =	wrdreg s16  }
0xb6: {  	[dreg:$0x4] =	wrdreg $0xA0000  }
0xb7: {  	[dreg:$0x5] =	wrdreg $0x9  }
0xb8: {  	_ =	task.clear_ibuf [dreg:s7], $0x6FFFF;
	_ =	strace $0x9000004C  }
0xb9: {  	s29 =	simm.s32 $0x9;
	_ =	strace $0x8000004E  }
0xba: {  	_ =	swait.ge [sflag:s29], $0x1  }
0xbb: {  	[sflag:s29] =	ssyncadd.s32 $0xFFFFFFFF  }
0xbc: {  	_ =	strace $0x9000004E  }
0xbd: {  	_ =	sfence  }
0xbe: {  	s30 =	sld [smem:$0x0];
	_ =	sdelay $0x2  }
0xbf: {  	s31 =	sshll.u32 s1, $0xD;
	s1 =	sshrl.u32 s1, $0x2  }
0xc0: {  	s3 =	sand.u32 $0x4000, s31;
	s1 =	sadd.s32 s1, s30  }
0xc1: {  	s0 =	sor.u32 s3, s0;
	s1 =	sshll.u32 s1, $0x11  }
0xc2: {  	s0 =	sor.u32 s1, s0  }
0xc3: {  	s0 =	sadd.s32 $0x8F2B, s0  }
0xc4: {  	[sflag:s0] =	ssyncadd.remote.s32 $0x1  }
0xc5: {  	_ =	sfence.sel $0xFFFF  }
0xc6: {  	[dreg:$0x0] =	wrdreg $0xFFFFFFFF;
	(pc) =	sbr.abs _section_cstart, $3  }
0xc7: {  	[dreg:$0x1] =	wrdreg $0xFFFFFFFF  }
0xc8: {  	_ =	task.clear_ibuf [dreg:s7], $0x2FFFF;
	_ =	strace $0x9FFFFFFF  }
0xc9: {  	(tm) =	ssettm $0x7FFFFFFF  }
tec
execute0_lowered:
.L_overlay_start_1:
0x0: {  	(tag) =	ssettag $0x1  }
0x1: {  	s0 =	rddreg [dreg:$0x0]  }
0x2: {  	s1 =	rddreg [dreg:$0x1]  }
0x3: {  	s2 =	rddreg [dreg:$0x2];
	s3 =	srdreg.scid  }
0x4: {  	s4 =	simm.s32 $0x0;
	s12 =	stileid.u32;
	s15 =	simm.s32 $0x4  }
0x5: {  	s16 =	simm.s32 $0x1000;
	s17 =	simm.s32 $0x80;
	s8 =	smul.u32 $0x280, s12  }
0x6: {  	s18 =	simm.s32 $0x2000;
	s19 =	simm.s32 $0x6000;
	s30 =	smul.u32 $0x50000, s12  }
0x7: {  	s20 =	simm.s32 $0x0;
	s3 =	sand.u32 $0x1, s3;
	s10 =	smul.u32 $0xA0, s12  }
0x8: {  	[smem:$0x7FF] =	sst s4;
	s5 =	sadd.s32 $0x7B800, s0;
	s7 =	smul.u32 $0x2800, s3  }
0x9: {  	s6 =	sadd.s32 $0xCB800, s0;
	s9 =	smul.u32 $0xA00, s3;
	s3 =	ssub.s32 $0x2, s3  }
0xa: {  	s31 =	sshll.u32 s12, $0x6;
	_ =	strace $0x8000004D;
	s11 =	sshrl.u32 s3, $0x1  }
0xb: {  	s7 =	sadd.s32 s8, s7;
	s8 =	sshrl.u32 s30, $0x2;
	s3 =	ssub.s32 s3, s11  }
0xc: {  	s9 =	sadd.s32 s10, s9;
	s7 =	sshll.u32 s7, $0x4;
	s14 =	sadd.s32 s8, s2  }
0xd: {  	s8 =	sshll.u32 s9, $0x4;
	s9 =	sor.u32 $0x1C04, s31;
	s13 =	smax.u32 s3, $0x1  }
0xe: {  	s0 =	sadd.s32 s7, s0;
	s7 =	sadd.s32 s5, s7;
	s10 =	sadd.s32 s6, s8  }
0xf: {  	s11 =	sadd.s32 s1, s8;
	s14 =	sshrl.u32 s14, $0x3;
	s12 =	sadd.s32 $0xDF800, s0  }
.LBB2_1:
0x10: {  	[spmem:s14], [sflag:s9] =	dma.local [hbm:s7], $0x2800  }
0x11: {  	_ =	swait.ge [sflag:s15], $0x2800  }
0x12: {  	[sflag:s15] =	ssyncset.done $0x0  }
0x13: {  	[sflag:s15] =	ssyncadd.s32 $0xFFFFD800  }
0x14: {  	[tilespmem:s4], [sflag:$0x4] =	stream.linear.gather [hbm4b:s10+s4], $0x800, $0x38;
	[tilespmem:$0x1E000] =	vst v63  }
0x15: {  	_ =	swait.ge [sflag:s15], $0x800  }
0x16: {  	p0 =	por $0x0, $0x0;
	[sflag:s15] =	ssyncset.done $0x0  }
0x17: {  	s0 =	sand.u32 $0xF, s4;
	s3 =	simm.s32 $0x400;
	[sflag:s15] =	ssyncadd.s32 $0xFFFFF800  }
0x18: {  	[tilespmem:s16], [sflag:$0x4] =	stream.linear.gather [hbm4b:s11+s4], $0x800, $0x38;
	[tilespmem:$0x1E000] =	vst v63  }
0x19: {  	s21 =	simm.s32 $0x1;
	p1 =	por $0x0, $0x0;
	_ =	swait.ge [sflag:s15], $0x800  }
0x1a: {  	s22 =	simm.s32 $0x0;
	s29 =	sand.u32 $0x1, s4;
	[sflag:s15] =	ssyncset.done $0x0  }
0x1b: {  	p3 =	por $0x0, $0x0;
	p2 =	sne.s32 @!p0 s0, $0x0;
	[sflag:s15] =	ssyncadd.s32 $0xFFFFF800  }
0x1c: {  	s26 =	sshll.u32 s0, $0x7;
	p2 =	por p2, p0;
	[bflag:$0x0] =	sbarrier.arrive $0xFFFF  }
0x1d: {  	[tilespmem:s18], [sflag:$0x1] =	stream.indirect.gather [hbm4b:s5+s17], $0x80, s4, s17, $0xb8;
	[tilespmem:$0x1E000] =	vst v63  }
0x1e: {  	p0 =	sne.s32 @!p1 s0, $0xE;
	s23 =	simm.s32 @!p2 $0x800;
	s0 =	sadd.s32 @!p2 $0x100, s8  }
0x1f: {  	[tilespmem:s19], [sflag:$0x2] =	stream.indirect.gather [hbm4b:s5+s17], $0x80, s17, s17, $0xb8;
	[tilespmem:$0x1E000] =	vst v63  }
0x20: {  	s28 =	simm.s32 @!p2 $0x0;
	s23 =	sand.u32 @!p2 $0x800, s23;
	s24 =	sadd.s32 @!p2 s6, s0  }
0x21: {  	[tilespmem:s23], [sflag:$0x3] =	stream.linear.gather @!p2 [hbm4b:s24+s28], $0x800, $0x38;
	[tilespmem:$0x1E000] =	vst v63  }
0x22: {  	s30 =	simm.s32 $0x0;
	s0 =	sadd.s32 @!p2 s1, s0;
	s25 =	sor.u32 @!p2 $0x1000, s23  }
0x23: {  	[tilespmem:s25], [sflag:$0x3] =	stream.linear.gather @!p2 [hbm4b:s0+s28], $0x800, $0x38;
	[tilespmem:$0x1E000] =	vst v63  }
0x24: {  	s22 =	sand.u32 $0x800, s22;
	s3 =	sand.u32 @!p1 $0x3E00, s3;
	s25 =	sadd.s32 $0x1, s29  }
0x25: {  	s31 =	sand.u32 $0xF, s21;
	s26 =	sor.u32 s26, s22;
	_ =	swait.ge [sflag:s25], $0x4000  }
0x26: {  	s23 =	sshrl.u32 @!p1 s3, $0x2;
	s0 =	sshll.u32 s29, $0xE;
	[sflag:s25] =	ssyncset.done $0x0  }
0x27: {  	s3 =	sor.u32 $0x1000, s26;
	s26 =	sor.u32 $0x2000, s0;
	[sflag:s25] =	ssyncadd.s32 $0xFFFFC000  }
0x28: {  	[spmem:s2] =	stream.indirect.scatter.add.f32 [tilespmem:s26], [sflag:$0x4], $0x80, s3, s17, $0xb8;
	[tilespmem:$0x1E000] =	vst v63  }
0x29: {  	s30 =	sand.u32 $0x800, s30;
	p1 =	por p1, p1;
	_ =	swait.ge [sflag:s15], $0x4000  }
0x2a: {  	s22 =	simm.s32 $0x600;
	p2 =	por p0, p1;
	[sflag:s15] =	ssyncset.done $0x0  }
0x2b: {  	p4 =	sne.s32 @!p3 s31, $0x0;
	s0 =	simm.s32 @!p2 $0x3;
	[sflag:s15] =	ssyncadd.s32 $0xFFFFC000  }
0x2c: {  	p3 =	por p4, p3;
	s24 =	simm.s32 $0x2;
	_ =	swait.ge @!p2 [sflag:s0], $0x800  }
0x2d: {  	s29 =	simm.s32 @!p1 $0x80;
	p0 =	por $0x0, $0x0;
	[sflag:s0] =	ssyncset.done @!p2 $0x0  }
0x2e: {  	s28 =	sshll.u32 s31, $0x7;
	s3 =	simm.s32 $0x0;
	[sflag:s0] =	ssyncadd.s32 @!p2 $0xFFFFF800  }
.LBB2_2:
0x2f: {  	s3 =	sadd.s32 @!p3 $0x1, s3;
	p4 =	sne.s32 @!p0 s31, $0xE;
	_ =	swait.ge @!p2 [sflag:s0], $0x800  }
0x30: {  	s31 =	sshll.u32 @!p3 s3, $0x8;
	s3 =	sshll.u32 @!p3 s3, $0xB;
	[sflag:s0] =	ssyncset.done @!p2 $0x0  }
0x31: {  	s31 =	sadd.s32 @!p3 s8, s31;
	s3 =	sand.u32 @!p3 $0x800, s3;
	[sflag:s0] =	ssyncadd.s32 @!p2 $0xFFFFF800  }
0x32: {  	[tilespmem:s26], [sflag:s25] =	stream.indirect.gather @!p1 [hbm4b:s5+s29], $0x80, s23, s29, $0xb8;
	[tilespmem:$0x1E000] =	vst v63  }
0x33: {  	s0 =	sadd.s32 @!p3 s6, s31;
	s25 =	sor.u32 @!p3 $0x1000, s3;
	s23 =	sand.u32 @!p0 $0x3E00, s22  }
0x34: {  	s26 =	simm.s32 @!p3 $0x0;
	s29 =	sadd.s32 @!p3 s1, s31;
	s23 =	sshrl.u32 @!p0 s23, $0x2  }
0x35: {  	[tilespmem:s3], [sflag:$0x3] =	stream.linear.gather @!p3 [hbm4b:s0+s26], $0x800, $0x38;
	[tilespmem:$0x1E000] =	vst v63  }
0x36: {  	s0 =	sand.u32 $0x1, s21;
	s21 =	smov.u32 s24;
	s24 =	sadd.s32 $0x1, s24  }
0x37: {  	[tilespmem:s25], [sflag:$0x3] =	stream.linear.gather @!p3 [hbm4b:s29+s26], $0x800, $0x38;
	[tilespmem:$0x1E000] =	vst v63  }
0x38: {  	p5 =	sne.s32 s24, $0xA0;
	s25 =	sadd.s32 $0x1, s0;
	s0 =	sshll.u32 s0, $0xE  }
0x39: {  	p1 =	por p0, p0;
	s3 =	sor.u32 s28, s30;
	_ =	swait.ge [sflag:s25], $0x4000  }
0x3a: {  	s22 =	sadd.s32 $0x200, s22;
	s3 =	sor.u32 $0x1000, s3;
	[sflag:s25] =	ssyncset.done $0x0  }
0x3b: {  	s29 =	simm.s32 @!p1 $0x80;
	s26 =	sor.u32 $0x2000, s0;
	[sflag:s25] =	ssyncadd.s32 $0xFFFFC000  }
0x3c: {  	[spmem:s2] =	stream.indirect.scatter.add.f32 [tilespmem:s26], [sflag:$0x4], $0x80, s3, s17, $0xb8;
	[tilespmem:$0x1E000] =	vst v63  }
0x3d: {  	p2 =	por p4, p1;
	p0 =	sgt.u32 s21, $0x9D;
	_ =	swait.ge [sflag:s15], $0x4000  }
.Ltmp0:
0x3e: {  	s0 =	simm.s32 @!p2 $0x3;
	[sflag:s15] =	ssyncset.done $0x0;
	(pc) =	sbr.rel @p5 .LBB2_2-.Ltmp0, $4  }
0x3f: {  	p3 =	sgt.u32 s21, $0x8F;
	s3 =	sshrl.u32 s21, $0x4;
	[sflag:s15] =	ssyncadd.s32 $0xFFFFC000  }
0x40: {  	s31 =	sand.u32 $0xF, s21;
	s30 =	sshll.u32 s3, $0xB;
	_ =	swait.ge @!p2 [sflag:s0], $0x800  }
0x41: {  	s28 =	sshll.u32 s31, $0x7;
	p4 =	sne.s32 @!p3 s31, $0x0;
	[sflag:s0] =	ssyncset.done @!p2 $0x0  }
0x42: {  	p3 =	por p4, p3;
	s30 =	sand.u32 $0x800, s30;
	[sflag:s0] =	ssyncadd.s32 @!p2 $0xFFFFF800  }
0x43: {  	s3 =	sadd.s32 @!p3 $0x1, s3;
	_ =	swait.ge @!p2 [sflag:s0], $0x800  }
0x44: {  	s24 =	sshll.u32 @!p3 s3, $0x8;
	[sflag:s0] =	ssyncset.done @!p2 $0x0  }
0x45: {  	[sflag:s0] =	ssyncadd.s32 @!p2 $0xFFFFF800;
	s0 =	sshll.u32 @!p3 s3, $0xB;
	s3 =	sadd.s32 @!p3 s8, s24  }
0x46: {  	[tilespmem:s26], [sflag:s25] =	stream.indirect.gather @!p1 [hbm4b:s5+s29], $0x80, s23, s29, $0xb8;
	[tilespmem:$0x1E000] =	vst v63  }
0x47: {  	s24 =	simm.s32 @!p3 $0x0;
	s0 =	sand.u32 @!p3 $0x800, s0;
	s23 =	sadd.s32 @!p3 s6, s3  }
0x48: {  	[tilespmem:s0], [sflag:$0x3] =	stream.linear.gather @!p3 [hbm4b:s23+s24], $0x800, $0x38;
	[tilespmem:$0x1E000] =	vst v63  }
0x49: {  	s21 =	sand.u32 $0x1, s21;
	s3 =	sadd.s32 @!p3 s1, s3;
	s0 =	sor.u32 @!p3 $0x1000, s0  }
0x4a: {  	[tilespmem:s0], [sflag:$0x3] =	stream.linear.gather @!p3 [hbm4b:s3+s24], $0x800, $0x38;
	[tilespmem:$0x1E000] =	vst v63  }
0x4b: {  	s0 =	sadd.s32 $0x1, s21  }
0x4c: {  	_ =	swait.ge [sflag:s0], $0x4000  }
0x4d: {  	s30 =	sor.u32 s28, s30;
	s29 =	sshll.u32 s21, $0xE;
	[sflag:s0] =	ssyncset.done $0x0  }
0x4e: {  	s21 =	sor.u32 $0x1000, s30;
	s3 =	sor.u32 $0x2000, s29;
	[sflag:s0] =	ssyncadd.s32 $0xFFFFC000  }
0x4f: {  	[spmem:s2] =	stream.indirect.scatter.add.f32 [tilespmem:s3], [sflag:$0x4], $0x80, s21, s17, $0xb8;
	[tilespmem:$0x1E000] =	vst v63  }
0x50: {  	p2 =	sne.s32 @!p0 s31, $0xE;
	p1 =	por p0, p0;
	_ =	swait.ge [sflag:s15], $0x4000  }
0x51: {  	p2 =	por p2, p1;
	[sflag:s15] =	ssyncset.done $0x0  }
0x52: {  	s21 =	simm.s32 @!p2 $0x3;
	[sflag:s15] =	ssyncadd.s32 $0xFFFFC000  }
0x53: {  	_ =	swait.ge @!p2 [sflag:s21], $0x800  }
0x54: {  	[sflag:s21] =	ssyncset.done @!p2 $0x0  }
0x55: {  	[sflag:s21] =	ssyncadd.s32 @!p2 $0xFFFFF800  }
0x56: {  	s22 =	sand.u32 @!p0 $0x3E00, s22;
	_ =	swait.ge @!p2 [sflag:s21], $0x800  }
0x57: {  	s20 =	sadd.s32 $0x1, s20;
	s22 =	sshrl.u32 @!p0 s22, $0x2;
	[sflag:s21] =	ssyncset.done @!p2 $0x0  }
0x58: {  	p0 =	sne.s32 s20, s13;
	s23 =	simm.s32 @!p1 $0x80;
	[sflag:s21] =	ssyncadd.s32 @!p2 $0xFFFFF800  }
0x59: {  	[tilespmem:s3], [sflag:s0] =	stream.indirect.gather @!p1 [hbm4b:s5+s23], $0x80, s22, s23, $0xb8;
	[tilespmem:$0x1E000] =	vst v63  }
.Ltmp1:
0x5a: {  	[bflag:$0x0] =	sbarrier.arrive $0xFFFF;
	(pc) =	sbr.rel @p0 .LBB2_1-.Ltmp1, $4  }
0x5b: {  	[hbm:s12], [sflag:s9] =	dma.local [spmem:s14], $0x2800  }
0x5c: {  	_ =	swait.ge [sflag:s15], $0x2800  }
0x5d: {  	[sflag:s15] =	ssyncset.done $0x0  }
0x5e: {  	[sflag:s15] =	ssyncadd.s32 $0xFFFFD800  }
0x5f: {  	_ =	sfence.sel $0x180000  }
0x60: {  	[bflag:$0x0] =	sbarrier.arrive $0xFFFF  }
0x61: {  	_ =	strace $0x9000004D  }
0x62: {  	s0 =	stileid.u32;
	[bflag:$0x2] =	sbarrier.arrive $0xFFFF  }
0x63: {  	p0 =	sne.s32 s0, $0x0;
	s0 =	rddreg [dreg:$0x3]  }
0x64: {  	s0 =	sadd.s32 @!p0 $0x100000, s0  }
0x65: {  	[sflag:s0] =	ssyncadd.tile.s32 @!p0 $0x1;
	_ =	shalt  }
.Lfunc_end2:
_tile_overlayer_lowered:
.L_overlay_start_2:
0x66: {  	(tag) =	ssettag $0x2  }
0x67: {  	s0 =	rddreg [dreg:$0x0];
	s2 =	stileid.u32  }
0x68: {  	s1 =	rddreg [dreg:$0x1];
	p0 =	sne.s32 s2, $0x0  }
0x69: {  	s3 =	rddreg [dreg:$0x2];
	[bflag:$0x3] =	sbarrier.arrive $0xFFFF;
	s2 =	simm.s32 @!p0 $0x1C04  }
0x6a: {  	[timem:s3], [sflag:s2] =	dma.local @!p0 [hbm:s0], s1  }
0x6b: {  	s0 =	simm.s32 @!p0 $0x4  }
0x6c: {  	_ =	swait.ge @!p0 [sflag:s0], s1  }
0x6d: {  	s1 =	ssub.s32 @!p0 $0x0, s1;
	[sflag:s0] =	ssyncset.done @!p0 $0x0  }
0x6e: {  	[sflag:s0] =	ssyncadd.s32 @!p0 s1  }
0x6f: {  	[bflag:$0x3] =	sbarrier.arrive $0xFFFF  }
0x70: {  	_ =	shalt  }

// kernel: kernel.9.cloned.1.call-start
scs
__scs_entry_jumppad:
0x0: {  	(pc) =	sbr.rel $0x88, $3  }
0x1: {  	(tag) =	ssettag $0x0;
	lr =	simm.s32 $0x1  }
0x2: {  	[smem:$0x3F97] =	sst lr;
	_ =	strace $0xD0000000  }
0x3: {  	_ = 	snop  }
0x4: {  	_ = 	snop  }
0x5: {  	_ = 	snop  }
0x6: {  	_ = 	snop  }
0x7: {  	_ = 	snop  }
__scs_overlays_trampoline_lowered:
0x8: {  	[smem:$0x3FA6] =	sst s0  }
0x9: {  	[smem:$0x3FA7] =	sst s1  }
0xa: {  	[smem:$0x3FA8] =	sst s2  }
0xb: {  	[smem:$0x3FA9] =	sst s3  }
0xc: {  	[smem:$0x3FAA] =	sst s4  }
0xd: {  	[smem:$0x3FAB] =	sst s5  }
0xe: {  	[smem:$0x3FAC] =	sst s6  }
0xf: {  	[smem:$0x3FAD] =	sst s7  }
0x10: {  	[smem:$0x3FAE] =	sst s8  }
0x11: {  	[smem:$0x3FAF] =	sst s9;
	s0 =	simm.s32 @!p0 $0x0  }
0x12: {  	s1 =	sld [smem:$0x3F95];
	s0 =	simm.s32 @p0 $0x1  }
0x13: {  	[smem:$0x3FB0] =	sst s0;
	s0 =	simm.s32 @!p1 $0x0  }
0x14: {  	s2 =	sld [smem:$0x3F94];
	s0 =	simm.s32 @p1 $0x1  }
0x15: {  	[smem:$0x3FB1] =	sst s0;
	s0 =	simm.s32 @!p2 $0x0  }
0x16: {  	s3 =	sld [smem:$0x3FDB];
	s0 =	simm.s32 @p2 $0x1  }
0x17: {  	s4 =	simm.s32 $0x1BF5;
	[smem:$0x3FB3] =	sst s0  }
0x18: {  	s0 =	sld [smem:$0x3F96];
	_ =	swait.ge [sflag:s4], $0x0  }
0x19: {  	s7 =	sld [smem:$0x3F97]  }
0x1a: {  	s8 =	sadd.s32 $0xFFFFE003, lr  }
0x1b: {  	s9 =	sadd.s32 $0xFFFFFEF7, lr;
	s5 =	simm.s32 $0xFFFFFFFF;
	p2 =	slt.u32 s8, $0xFFFFF086  }
0x1c: {  	p1 =	slt.u32 s9, $0xF7A;
	s5 =	simm.s32 @!p2 $0x0  }
0x1d: {  	s5 =	simm.s32 @p1 $0x1;
	p0 =	seq.s32 s7, s2  }
0x1e: {  	s7 =	smul.u32 @!p0 $0xF7A, s2;
	p2 =	seq.s32 @!p0 s5, $0x0  }
0x1f: {  	s9 =	smul.u32 $0xF7A, s1;
	s8 =	simm.s32 @!p0 $0x1BF5;
	p2 =	por !p2, p0  }
0x20: {  	[sflag:s8] =	ssyncset.s32 @!p0 $0xFFFFF086;
	s6 =	sadd.s32 @!p0 s3, s7;
	s7 =	simm.s32 @!p0 $0x108  }
0x21: {  	s3 =	sadd.s32 s3, s9;
	s6 =	sadd.s32 @!p0 $0x88, s6;
	s7 =	simm.s32 @p2 $0x1082  }
0x22: {  	[simem:s7], [sflag:s8] =	dma.local @!p0 [hbm:s6], $0xF7A  }
0x23: {  	s9 =	sor.u32 $0xD0000000, s2;
	s6 =	simm.s32 $0x108;
	_ =	swait.ge @!p0 [sflag:s8], $0x0  }
0x24: {  	s3 =	sadd.s32 $0x88, s3;
	s6 =	simm.s32 @!p1 $0x1082;
	[sflag:s4] =	ssyncset.s32 $0xFFFFF086  }
0x25: {  	[simem:s6], [sflag:s4] =	dma.local [hbm:s3], $0xF7A  }
0x26: {  	[smem:$0x3F97] =	sst s1;
	(tag) =	ssettag s2;
	_ =	strace s9  }
0x27: {  	s1 =	sld [smem:$0x3FA7]  }
0x28: {  	s2 =	sld [smem:$0x3FA8]  }
0x29: {  	s4 =	sld [smem:$0x3FAA]  }
0x2a: {  	p0 =	seq.s32 s5, $0x0;
	s5 =	sld [smem:$0x3FAB]  }
0x2b: {  	s6 =	sld [smem:$0x3FAC]  }
0x2c: {  	s7 =	sld [smem:$0x3FAD]  }
0x2d: {  	s3 =	simm.s32 $0x108;
	s8 =	sld [smem:$0x3FAE]  }
0x2e: {  	s3 =	simm.s32 @!p0 $0x1082;
	s9 =	sld [smem:$0x3FAF]  }
0x2f: {  	lr =	sadd.s32 s0, s3;
	s0 =	sld [smem:$0x3FA6]  }
0x30: {  	s3 =	sld [smem:$0x3FA9]  }
0x31: {  	[smem:$0x3FB2] =	sst s10  }
0x32: {  	s10 =	sld [smem:$0x3FB0];
	_ =	sdelay $0x3  }
0x33: {  	p0 =	seq.s32 s10, $0x1;
	s10 =	sld [smem:$0x3FB2];
	_ =	sdelay $0x3  }
0x34: {  	[smem:$0x3FB2] =	sst s10  }
0x35: {  	s10 =	sld [smem:$0x3FB1];
	_ =	sdelay $0x3  }
0x36: {  	p1 =	seq.s32 s10, $0x1;
	s10 =	sld [smem:$0x3FB2];
	_ =	sdelay $0x3  }
0x37: {  	[smem:$0x3FB2] =	sst s10  }
0x38: {  	s10 =	sld [smem:$0x3FB3]  }
0x39: {  	_ = 	snop;
	(pc) =	sbr.ind lr, $3  }
0x3a: {  	_ = 	snop  }
0x3b: {  	_ = 	snop  }
0x3c: {  	p2 =	seq.s32 s10, $0x1;
	s10 =	sld [smem:$0x3FB2]  }
0x3d: {  	_ =	shalt  }
0x3e: {  	_ =	shalt  }
0x3f: {  	_ =	shalt  }
0x40: {  	_ =	shalt  }
0x41: {  	_ =	shalt  }
0x42: {  	_ =	shalt  }
0x43: {  	_ =	shalt  }
0x44: {  	_ =	shalt  }
0x45: {  	_ =	shalt  }
0x46: {  	_ =	shalt  }
0x47: {  	_ =	shalt  }
0x48: {  	_ =	shalt  }
0x49: {  	_ =	shalt  }
0x4a: {  	_ =	shalt  }
0x4b: {  	_ =	shalt  }
0x4c: {  	_ =	shalt  }
0x4d: {  	_ =	shalt  }
0x4e: {  	_ =	shalt  }
0x4f: {  	_ =	shalt  }
0x50: {  	_ =	shalt  }
0x51: {  	_ =	shalt  }
0x52: {  	_ =	shalt  }
0x53: {  	_ =	shalt  }
0x54: {  	_ =	shalt  }
0x55: {  	_ =	shalt  }
0x56: {  	_ =	shalt  }
0x57: {  	_ =	shalt  }
0x58: {  	_ =	shalt  }
0x59: {  	_ =	shalt  }
0x5a: {  	_ =	shalt  }
0x5b: {  	_ =	shalt  }
0x5c: {  	_ =	shalt  }
0x5d: {  	_ =	shalt  }
0x5e: {  	_ =	shalt  }
0x5f: {  	_ =	shalt  }
0x60: {  	_ =	shalt  }
0x61: {  	_ =	shalt  }
0x62: {  	_ =	shalt  }
0x63: {  	_ =	shalt  }
0x64: {  	_ =	shalt  }
0x65: {  	_ =	shalt  }
0x66: {  	_ =	shalt  }
0x67: {  	_ =	shalt  }
0x68: {  	_ =	shalt  }
0x69: {  	_ =	shalt  }
0x6a: {  	_ =	shalt  }
0x6b: {  	_ =	shalt  }
0x6c: {  	_ =	shalt  }
0x6d: {  	_ =	shalt  }
0x6e: {  	_ =	shalt  }
0x6f: {  	_ =	shalt  }
0x70: {  	_ =	shalt  }
0x71: {  	_ =	shalt  }
0x72: {  	_ =	shalt  }
0x73: {  	_ =	shalt  }
0x74: {  	_ =	shalt  }
0x75: {  	_ =	shalt  }
0x76: {  	_ =	shalt  }
0x77: {  	_ =	shalt  }
0x78: {  	_ =	shalt  }
0x79: {  	_ =	shalt  }
0x7a: {  	_ =	shalt  }
0x7b: {  	_ =	shalt  }
0x7c: {  	_ =	shalt  }
0x7d: {  	_ =	shalt  }
0x7e: {  	_ =	shalt  }
0x7f: {  	_ =	shalt  }
0x80: {  	_ =	shalt  }
0x81: {  	_ =	shalt  }
0x82: {  	_ =	shalt  }
0x83: {  	_ =	shalt  }
0x84: {  	_ =	shalt  }
0x85: {  	_ =	shalt  }
0x86: {  	_ =	shalt  }
0x87: {  	_ =	shalt  }
.Lfunc_end0:
.L_simem_size_0:
called_computation_lowered:
.L_overlay_start_0:
0x88: {  	s2 =	sld [smem:$0x3FD9]  }
0x89: {  	s3 =	sld [smem:$0x3FFE];
	_ =	sdelay $0x1  }
0x8a: {  	s1 =	srdreg.scid  }
0x8b: {  	s0 =	sand.u32 $0x1, s1  }
0x8c: {  	s14 =	sshll.u32 s0, $0xA;
	s2 =	sadd.s32 s3, s2  }
0x8d: {  	s2 =	sadd.s32 s2, s14  }
0x8e: {  	[smem:$0x3FBE] =	sst s2  }
0x8f: {  	_ = 	snop  }
0x90: {  	s2 =	sld [smem:$0x3FD0];
	_ =	sdelay $0x2  }
0x91: {  	s15 =	simm.s32 $0xA;
	s4 =	simm.s32 $0x10  }
0x92: {  	[smem:s4], [sflag:s15] =	dma.local [hbm:s2], $0x1  }
0x93: {  	_ =	swait.eq [sflag:s15], $0x1  }
0x94: {  	[sflag:s15] =	ssyncset.done $0x0  }
0x95: {  	[sflag:s15] =	ssyncadd.s32 $0xFFFFFFFF  }
0x96: {  	s16 =	sld [smem:$0x10];
	(tm) =	ssettm $0x1  }
0x97: {  	s17 =	sld [smem:$0x3FFB];
	_ =	sdelay $0x3  }
0x98: {  	_ =	strace s17  }
0x99: {  	s3 =	sld [smem:$0x3FFC];
	_ =	sdelay $0x3  }
0x9a: {  	_ =	strace s3  }
0x9b: {  	s3 =	sld [smem:$0x3FFD];
	_ =	sdelay $0x3  }
0x9c: {  	_ =	strace s3  }
0x9d: {  	_ =	strace $0x8FFFFFFF  }
0x9e: {  	s18 =	sld [smem:$0x3FDB];
	_ =	sdelay $0x1  }
0x9f: {  	s19 =	simm.s32 $_scs_section_size  }
0xa0: {  	s5 =	simm.s32 $_size__tile_overlayer_lowered;
	s6 =	simm.s32 $_tile_overlayer_lowered  }
0xa1: {  	s22 =	simm.s32 $0x1BFF;
	s21 =	sshll.u32 s6, $0x1;
	s3 =	sadd.s32 s19, s18  }
0xa2: {  	s7 =	simm.s32 $0x0;
	s20 =	sshll.u32 s5, $0x1;
	s5 =	sadd.s32 s21, s3  }
0xa3: {  	[timem:s7], [sflag:s22] =	dma.local [hbm:s5], s20  }
0xa4: {  	_ =	swait.ge [sflag:s22], s20  }
0xa5: {  	s4 =	ssub.s32 $0x0, s20;
	[sflag:s22] =	ssyncset.done $0x0  }
0xa6: {  	[sflag:s22] =	ssyncadd.s32 s4;
	_ =	sdelay $0x1  }
0xa7: {  	s23 =	simm.s32 $0x1B8B  }
0xa8: {  	_ =	swait.ge [sflag:s23], $0x1  }
0xa9: {  	[sflag:s23] =	ssyncset.done $0x0  }
0xaa: {  	s25 =	simm.s32 $0x1B8E;
	s24 =	sld [smem:$0x3FFE];
	[sflag:s23] =	ssyncadd.s32 $0xFFFFFFFF  }
0xab: {  	s26 =	simm.s32 $execute0_lowered;
	[smem:$0x3FD2] =	sst s25  }
0xac: {  	s5 =	sshll.u32 s26, $0x1;
	_ =	strace $0x80000046;
	[dreg:$0x1] =	wrdreg $0xFFFFFFFF  }
0xad: {  	s28 =	simm.s32 $_size_execute0_lowered;
	s3 =	sadd.s32 s3, s5;
	[dreg:$0x0] =	wrdreg $0x0  }
0xae: {  	s5 =	sshll.u32 s28, $0x1;
	[dreg:$0x2] =	wrdreg s3  }
0xaf: {  	[dreg:$0x3] =	wrdreg s5  }
0xb0: {  	[dreg:$0x4] =	wrdreg $0xC0  }
0xb1: {  	_ =	task [dreg:s7], $0x5FFFF  }
0xb2: {  	[dreg:$0x1] =	wrdreg $0xFFFFFFFF  }
0xb3: {  	[dreg:$0x0] =	wrdreg $0x60  }
0xb4: {  	[dreg:$0x2] =	wrdreg s16  }
0xb5: {  	[dreg:$0x3] =	wrdreg s24  }
0xb6: {  	[dreg:$0x4] =	wrdreg $0x50000  }
0xb7: {  	[dreg:$0x5] =	wrdreg $0x9  }
0xb8: {  	_ =	task.clear_ibuf [dreg:s7], $0x6FFFF;
	_ =	strace $0x90000046  }
0xb9: {  	s29 =	simm.s32 $0x9;
	_ =	strace $0x80000048  }
0xba: {  	_ =	swait.ge [sflag:s29], $0x1  }
0xbb: {  	[sflag:s29] =	ssyncadd.s32 $0xFFFFFFFF  }
0xbc: {  	_ =	strace $0x90000048  }
0xbd: {  	_ =	sfence  }
0xbe: {  	s30 =	sld [smem:$0x0];
	_ =	sdelay $0x2  }
0xbf: {  	s31 =	sshll.u32 s1, $0xD;
	s1 =	sshrl.u32 s1, $0x2  }
0xc0: {  	s3 =	sand.u32 $0x4000, s31;
	s1 =	sadd.s32 s1, s30  }
0xc1: {  	s0 =	sor.u32 s3, s0;
	s1 =	sshll.u32 s1, $0x11  }
0xc2: {  	s0 =	sor.u32 s1, s0  }
0xc3: {  	s0 =	sadd.s32 $0x8F2B, s0  }
0xc4: {  	[sflag:s0] =	ssyncadd.remote.s32 $0x1  }
0xc5: {  	_ =	sfence.sel $0xFFFF  }
0xc6: {  	[dreg:$0x0] =	wrdreg $0xFFFFFFFF;
	(pc) =	sbr.abs _section_cstart, $3  }
0xc7: {  	[dreg:$0x1] =	wrdreg $0xFFFFFFFF  }
0xc8: {  	_ =	task.clear_ibuf [dreg:s7], $0x2FFFF;
	_ =	strace $0x9FFFFFFF  }
0xc9: {  	(tm) =	ssettm $0x7FFFFFFF  }
tec
execute0_lowered:
.L_overlay_start_1:
0x0: {  	(tag) =	ssettag $0x1  }
0x1: {  	s7 =	rddreg [dreg:$0x0]  }
0x2: {  	s5 =	rddreg [dreg:$0x1];
	s1 =	srdreg.scid  }
0x3: {  	s0 =	stileid.u32;
	s2 =	rddreg [dreg:$0x2];
	s3 =	simm.s32 $0x0  }
0x4: {  	s15 =	simm.s32 $0x1;
	s16 =	simm.s32 $0x1000;
	s6 =	smul.u32 $0x2800, s0  }
0x5: {  	s17 =	simm.s32 $0x80;
	s18 =	simm.s32 $0x0;
	s11 =	smul.u32 $0xA00, s0  }
0x6: {  	s4 =	sand.u32 $0x1, s1;
	s1 =	rddreg [dreg:$0x3];
	s13 =	smul.u32 $0x50000, s0  }
0x7: {  	[smem:$0x7FF] =	sst s3;
	s31 =	sshll.u32 s0, $0x6;
	s8 =	smul.u32 $0x28000, s4  }
0x8: {  	s9 =	smul.u32 $0xA000, s4;
	_ =	strace $0x80000047;
	s10 =	ssub.s32 $0x2, s4  }
0x9: {  	s4 =	sadd.s32 $0x3800, s5;
	s12 =	sshrl.u32 s10, $0x1;
	s30 =	sshrl.u32 s13, $0x2  }
0xa: {  	s8 =	sadd.s32 s6, s8;
	s10 =	ssub.s32 s10, s12;
	s9 =	sadd.s32 s11, s9  }
0xb: {  	s14 =	sadd.s32 s30, s2;
	s8 =	sadd.s32 s8, s5;
	s5 =	sadd.s32 s4, s6  }
0xc: {  	s6 =	sor.u32 $0x1C01, s31;
	s7 =	sadd.s32 s7, s9;
	s9 =	smax.u32 s10, $0x1  }
0xd: {  	s14 =	sshrl.u32 s14, $0x3;
	s8 =	sadd.s32 $0x2B800, s8;
	s10 =	sadd.s32 $0x200, s7  }
0xe: {  	s11 =	sadd.s32 $0x400, s7;
	s12 =	sadd.s32 $0x600, s7;
	s13 =	sadd.s32 $0x800, s7  }
.LBB2_1:
0xf: {  	[spmem:s14], [sflag:s6] =	dma.local [hbm:s5], $0x2800  }
0x10: {  	_ =	swait.ge [sflag:s15], $0x2800  }
0x11: {  	[sflag:s15] =	ssyncset.done $0x0  }
0x12: {  	[sflag:s15] =	ssyncadd.s32 $0xFFFFD800  }
0x13: {  	[tilespmem:s16], [sflag:$0x1] =	stream.linear.gather [hbm4b:s4+s3], $0x4000, $0x38;
	[tilespmem:$0x19000] =	vst v63  }
0x14: {  	_ =	swait.ge [sflag:s15], $0x4000  }
0x15: {  	[sflag:s15] =	ssyncset.done $0x0  }
0x16: {  	[sflag:s15] =	ssyncadd.s32 $0xFFFFC000  }
0x17: {  	[bflag:$0x0] =	sbarrier.arrive $0xFFFF  }
0x18: {  	[tilespmem:s3], [sflag:$0x1] =	stream.linear.gather [hbm4b:s7+s3], $0x1000, $0x38;
	[tilespmem:$0x19000] =	vst v63  }
0x19: {  	_ =	swait.ge [sflag:s15], $0x1000  }
0x1a: {  	[sflag:s15] =	ssyncset.done $0x0  }
0x1b: {  	s19 =	simm.s32 $0x0;
	[sflag:s15] =	ssyncadd.s32 $0xFFFFF000  }
0x1c: {  	[spmem:s2] =	stream.indirect.scatter.add.f32 [tilespmem:s16], [sflag:$0x1], $0x80, s19, s17, $0xb8;
	[tilespmem:$0x19000] =	vst v63  }
0x1d: {  	_ =	swait.ge [sflag:s15], $0x4000  }
0x1e: {  	s19 =	simm.s32 $0x200;
	[sflag:s15] =	ssyncset.done $0x0  }
.LBB2_2:
0x1f: {  	s20 =	sshra.s32 s19, $0x2;
	[sflag:s15] =	ssyncadd.s32 $0xFFFFC000;
	p0 =	sne.s32 s19, $0x3E00  }
0x20: {  	[spmem:s2] =	stream.indirect.scatter.add.f32 [tilespmem:s16], [sflag:$0x1], $0x80, s20, s17, $0xb8;
	[tilespmem:$0x19000] =	vst v63  }
.Ltmp0:
0x21: {  	_ = 	snop;
	(pc) =	sbr.rel @p0 .LBB2_2-.Ltmp0, $4  }
0x22: {  	_ = 	snop  }
0x23: {  	s19 =	sadd.s32 $0x200, s19  }
0x24: {  	_ =	swait.ge [sflag:s15], $0x4000  }
0x25: {  	[sflag:s15] =	ssyncset.done $0x0  }
0x26: {  	[sflag:s15] =	ssyncadd.s32 $0xFFFFC000;
	s19 =	simm.s32 $0x0  }
0x27: {  	[tilespmem:s19], [sflag:$0x1] =	stream.linear.gather [hbm4b:s10+s19], $0x1000, $0x38;
	[tilespmem:$0x19000] =	vst v63  }
0x28: {  	_ =	swait.ge [sflag:s15], $0x1000  }
0x29: {  	[sflag:s15] =	ssyncset.done $0x0  }
0x2a: {  	s31 =	simm.s32 $0x0;
	[sflag:s15] =	ssyncadd.s32 $0xFFFFF000  }
0x2b: {  	[spmem:s2] =	stream.indirect.scatter.add.f32 [tilespmem:s16], [sflag:$0x1], $0x80, s31, s17, $0xb8;
	[tilespmem:$0x19000] =	vst v63  }
0x2c: {  	_ =	swait.ge [sflag:s15], $0x4000  }
0x2d: {  	s19 =	simm.s32 $0x200;
	[sflag:s15] =	ssyncset.done $0x0  }
.LBB2_4:
0x2e: {  	s20 =	sshra.s32 s19, $0x2;
	[sflag:s15] =	ssyncadd.s32 $0xFFFFC000;
	p0 =	sne.s32 s19, $0x3E00  }
0x2f: {  	[spmem:s2] =	stream.indirect.scatter.add.f32 [tilespmem:s16], [sflag:$0x1], $0x80, s20, s17, $0xb8;
	[tilespmem:$0x19000] =	vst v63  }
.Ltmp1:
0x30: {  	_ = 	snop;
	(pc) =	sbr.rel @p0 .LBB2_4-.Ltmp1, $4  }
0x31: {  	_ = 	snop  }
0x32: {  	s19 =	sadd.s32 $0x200, s19  }
0x33: {  	_ =	swait.ge [sflag:s15], $0x4000  }
0x34: {  	[sflag:s15] =	ssyncset.done $0x0  }
0x35: {  	[sflag:s15] =	ssyncadd.s32 $0xFFFFC000;
	s19 =	simm.s32 $0x0  }
0x36: {  	[tilespmem:s19], [sflag:$0x1] =	stream.linear.gather [hbm4b:s11+s19], $0x1000, $0x38;
	[tilespmem:$0x19000] =	vst v63  }
0x37: {  	_ =	swait.ge [sflag:s15], $0x1000  }
0x38: {  	[sflag:s15] =	ssyncset.done $0x0  }
0x39: {  	s31 =	simm.s32 $0x0;
	[sflag:s15] =	ssyncadd.s32 $0xFFFFF000  }
0x3a: {  	[spmem:s2] =	stream.indirect.scatter.add.f32 [tilespmem:s16], [sflag:$0x1], $0x80, s31, s17, $0xb8;
	[tilespmem:$0x19000] =	vst v63  }
0x3b: {  	_ =	swait.ge [sflag:s15], $0x4000  }
0x3c: {  	s19 =	simm.s32 $0x200;
	[sflag:s15] =	ssyncset.done $0x0  }
.LBB2_6:
0x3d: {  	s20 =	sshra.s32 s19, $0x2;
	[sflag:s15] =	ssyncadd.s32 $0xFFFFC000;
	p0 =	sne.s32 s19, $0x3E00  }
0x3e: {  	[spmem:s2] =	stream.indirect.scatter.add.f32 [tilespmem:s16], [sflag:$0x1], $0x80, s20, s17, $0xb8;
	[tilespmem:$0x19000] =	vst v63  }
.Ltmp2:
0x3f: {  	_ = 	snop;
	(pc) =	sbr.rel @p0 .LBB2_6-.Ltmp2, $4  }
0x40: {  	_ = 	snop  }
0x41: {  	s19 =	sadd.s32 $0x200, s19  }
0x42: {  	_ =	swait.ge [sflag:s15], $0x4000  }
0x43: {  	[sflag:s15] =	ssyncset.done $0x0  }
0x44: {  	[sflag:s15] =	ssyncadd.s32 $0xFFFFC000;
	s19 =	simm.s32 $0x0  }
0x45: {  	[tilespmem:s19], [sflag:$0x1] =	stream.linear.gather [hbm4b:s12+s19], $0x1000, $0x38;
	[tilespmem:$0x19000] =	vst v63  }
0x46: {  	_ =	swait.ge [sflag:s15], $0x1000  }
0x47: {  	[sflag:s15] =	ssyncset.done $0x0  }
0x48: {  	s31 =	simm.s32 $0x0;
	[sflag:s15] =	ssyncadd.s32 $0xFFFFF000  }
0x49: {  	[spmem:s2] =	stream.indirect.scatter.add.f32 [tilespmem:s16], [sflag:$0x1], $0x80, s31, s17, $0xb8;
	[tilespmem:$0x19000] =	vst v63  }
0x4a: {  	_ =	swait.ge [sflag:s15], $0x4000  }
0x4b: {  	s19 =	simm.s32 $0x200;
	[sflag:s15] =	ssyncset.done $0x0  }
.LBB2_8:
0x4c: {  	s20 =	sshra.s32 s19, $0x2;
	[sflag:s15] =	ssyncadd.s32 $0xFFFFC000;
	p0 =	sne.s32 s19, $0x3E00  }
0x4d: {  	[spmem:s2] =	stream.indirect.scatter.add.f32 [tilespmem:s16], [sflag:$0x1], $0x80, s20, s17, $0xb8;
	[tilespmem:$0x19000] =	vst v63  }
.Ltmp3:
0x4e: {  	_ = 	snop;
	(pc) =	sbr.rel @p0 .LBB2_8-.Ltmp3, $4  }
0x4f: {  	_ = 	snop  }
0x50: {  	s19 =	sadd.s32 $0x200, s19  }
0x51: {  	_ =	swait.ge [sflag:s15], $0x4000  }
0x52: {  	[sflag:s15] =	ssyncset.done $0x0  }
0x53: {  	[sflag:s15] =	ssyncadd.s32 $0xFFFFC000;
	s19 =	simm.s32 $0x0  }
0x54: {  	[tilespmem:s19], [sflag:$0x1] =	stream.linear.gather [hbm4b:s13+s19], $0x1000, $0x38;
	[tilespmem:$0x19000] =	vst v63  }
0x55: {  	_ =	swait.ge [sflag:s15], $0x1000  }
0x56: {  	[sflag:s15] =	ssyncset.done $0x0  }
0x57: {  	s31 =	simm.s32 $0x0;
	[sflag:s15] =	ssyncadd.s32 $0xFFFFF000  }
0x58: {  	[spmem:s2] =	stream.indirect.scatter.add.f32 [tilespmem:s16], [sflag:$0x1], $0x80, s31, s17, $0xb8;
	[tilespmem:$0x19000] =	vst v63  }
0x59: {  	_ =	swait.ge [sflag:s15], $0x4000  }
0x5a: {  	s19 =	simm.s32 $0x200;
	[sflag:s15] =	ssyncset.done $0x0  }
.LBB2_10:
0x5b: {  	s20 =	sshra.s32 s19, $0x2;
	[sflag:s15] =	ssyncadd.s32 $0xFFFFC000;
	p0 =	sne.s32 s19, $0x3E00  }
0x5c: {  	[spmem:s2] =	stream.indirect.scatter.add.f32 [tilespmem:s16], [sflag:$0x1], $0x80, s20, s17, $0xb8;
	[tilespmem:$0x19000] =	vst v63  }
.Ltmp4:
0x5d: {  	_ = 	snop;
	(pc) =	sbr.rel @p0 .LBB2_10-.Ltmp4, $4  }
0x5e: {  	_ = 	snop  }
0x5f: {  	s19 =	sadd.s32 $0x200, s19  }
0x60: {  	_ =	swait.ge [sflag:s15], $0x4000  }
0x61: {  	[sflag:s15] =	ssyncset.done $0x0  }
0x62: {  	s18 =	sadd.s32 $0x1, s18  }
0x63: {  	[sflag:s15] =	ssyncadd.s32 $0xFFFFC000;
	p0 =	sne.s32 s18, s9  }
.Ltmp5:
0x64: {  	[bflag:$0x0] =	sbarrier.arrive $0xFFFF;
	(pc) =	sbr.rel @p0 .LBB2_1-.Ltmp5, $4  }
0x65: {  	[hbm:s8], [sflag:s6] =	dma.local [spmem:s14], $0x2800  }
0x66: {  	_ =	swait.ge [sflag:s15], $0x2800  }
0x67: {  	[sflag:s15] =	ssyncset.done $0x0  }
0x68: {  	[sflag:s15] =	ssyncadd.s32 $0xFFFFD800  }
0x69: {  	_ =	sfence.sel $0x180000  }
0x6a: {  	[bflag:$0x0] =	sbarrier.arrive $0xFFFF  }
0x6b: {  	p0 =	sne.s32 s0, $0x0;
	_ =	strace $0x90000047  }
0x6c: {  	s0 =	sadd.s32 @!p0 $0x100000, s1;
	[bflag:$0x2] =	sbarrier.arrive $0xFFFF  }
0x6d: {  	[sflag:s0] =	ssyncadd.tile.s32 @!p0 $0x1;
	_ =	shalt  }
.Lfunc_end2:
_tile_overlayer_lowered:
.L_overlay_start_2:
0x6e: {  	(tag) =	ssettag $0x2  }
0x6f: {  	s0 =	rddreg [dreg:$0x0];
	s2 =	stileid.u32  }
0x70: {  	s1 =	rddreg [dreg:$0x1];
	p0 =	sne.s32 s2, $0x0  }
0x71: {  	s3 =	rddreg [dreg:$0x2];
	[bflag:$0x3] =	sbarrier.arrive $0xFFFF;
	s2 =	simm.s32 @!p0 $0x1C01  }
0x72: {  	[timem:s3], [sflag:s2] =	dma.local @!p0 [hbm:s0], s1  }
0x73: {  	s0 =	simm.s32 @!p0 $0x1  }
0x74: {  	_ =	swait.ge @!p0 [sflag:s0], s1  }
0x75: {  	s1 =	ssub.s32 @!p0 $0x0, s1;
	[sflag:s0] =	ssyncset.done @!p0 $0x0  }
0x76: {  	[sflag:s0] =	ssyncadd.s32 @!p0 s1  }
0x77: {  	[bflag:$0x3] =	sbarrier.arrive $0xFFFF  }
0x78: {  	_ =	shalt  }

</sc_bundles>
